<compile_context>
chip_gen: v7x
topology: tpu7x:2x2x1
jax: 0.10.2.dev20260603
libtpu: 0.0.44.dev20260713+nightly
codegen_flags: <defaults>
</compile_context>

<pallas_src>
import functools

import jax
import jax.numpy as jnp
from jax import lax
from jax.experimental import pallas as pl
from jax.experimental.pallas import tpu as pltpu
from jax.experimental.pallas import tpu_sc as plsc

TOP_P = 0.5
EPS = 1e-10
L = 512
E = 3
N = 64
NBLK = 8
STEPS = N // NBLK
LCHUNK = L // STEPS
NC = 2
NS = 16
NW = NC * NS
RPT = (N * L) // NW
CHUNKS = [80] * (RPT // 80) + ([RPT % 80] if RPT % 80 else [])
OFFS = [sum(CHUNKS[:i]) for i in range(len(CHUNKS))]
NBUF = 3
CHMAX = max(CHUNKS)


def _tc_body(x_ref, wg_ref, masks_ref, var_ref, idx_ref, sp_ref, ent_ref,
             loss_ref):
    n = pl.program_id(0)
    xb = x_ref[...].reshape(NBLK * L, L)
    wg = wg_ref[...]
    zT = lax.dot_general(wg, xb, (((1,), (1,)), ((), ())),
                         preferred_element_type=jnp.float32)
    zmax = jnp.max(zT, axis=0, keepdims=True)
    ez = jnp.exp(zT - zmax)
    p = ez / jnp.sum(ez, axis=0, keepdims=True)
    ent = -jnp.sum(p * jnp.log(p + EPS))

    p0, p1, p2 = p[0:1], p[1:2], p[2:3]
    cb0 = p1 * (p1 > p0) + p2 * (p2 > p0)
    cb1 = p0 * (p0 >= p1) + p2 * (p2 > p1)
    cb2 = p0 * (p0 >= p2) + p1 * (p1 >= p2)
    g0 = (cb0 <= TOP_P).astype(jnp.int32)
    g1 = (cb1 <= TOP_P).astype(jnp.int32)
    g2 = (cb2 <= TOP_P).astype(jnp.int32)
    combo = g0 + 2 * g1 + 4 * g2
    lane = lax.broadcasted_iota(jnp.int32, (1, NBLK * L), 1)
    idx_ref[0] = combo * L + (lane & (L - 1))

    mx = jnp.maximum(jnp.maximum(p0, p1), p2)
    mn = jnp.minimum(jnp.minimum(p0, p1), p2)
    med = jnp.maximum(jnp.minimum(p0, p1), jnp.minimum(jnp.maximum(p0, p1), p2))
    k1 = (mx <= TOP_P).astype(jnp.float32)
    k2 = ((mx + med) <= TOP_P).astype(jnp.float32)
    contrib = jnp.concatenate([mx, med * k1, mn * k2], axis=0)
    folded = contrib[:, 0:L]
    for b in range(1, NBLK):
        folded = folded + contrib[:, b * L:(b + 1) * L]

    @pl.when(n == 0)
    def _():
        sp_ref[...] = folded
        ent_ref[0, 0] = ent

    @pl.when(n != 0)
    def _():
        sp_ref[...] = sp_ref[...] + folded
        ent_ref[0, 0] = ent_ref[0, 0] + ent

    m0 = masks_ref[0]
    m1 = masks_ref[1]
    m2 = masks_ref[2]
    row = n * LCHUNK + lax.broadcasted_iota(jnp.int32, (LCHUNK, L), 0)
    col = lax.broadcasted_iota(jnp.int32, (LCHUNK, L), 1)
    eye = (row == col).astype(jnp.float32)
    var_ref[0] = eye
    var_ref[1] = m0 + eye
    var_ref[2] = m1 + eye
    var_ref[3] = (m0 + m1) + eye
    var_ref[4] = m2 + eye
    var_ref[5] = (m0 + m2) + eye
    var_ref[6] = (m1 + m2) + eye
    var_ref[7] = ((m0 + m1) + m2) + eye

    @pl.when(n == STEPS - 1)
    def _():
        sp = sp_ref[...]
        mean = jnp.sum(sp) / (L * E)
        var = jnp.sum((sp - mean) ** 2) / (L * E - 1)
        loss_imp = var / (mean * mean + EPS)
        loss_ref[0, 0] = loss_imp + 0.1 * (ent_ref[0, 0] / (N * E))


def _tc_stage(x_flat, masks_t, W_gate):
    smem_scalar = functools.partial(
        pl.BlockSpec, memory_space=pltpu.SMEM, block_shape=(1, 1),
        index_map=lambda n: (0, 0))
    return pl.pallas_call(
        _tc_body,
        grid=(STEPS,),
        in_specs=[
            pl.BlockSpec((NBLK, L, L), lambda n: (n, 0, 0)),
            pl.BlockSpec((E, L), lambda n: (0, 0)),
            pl.BlockSpec((E, LCHUNK, L), lambda n: (0, n, 0)),
        ],
        out_specs=[
            pl.BlockSpec((8, LCHUNK, L), lambda n: (0, n, 0)),
            pl.BlockSpec((1, 1, NBLK * L), lambda n: (n, 0, 0)),
            pl.BlockSpec((E, L), lambda n: (0, 0)),
            smem_scalar(),
            smem_scalar(),
        ],
        out_shape=[
            jax.ShapeDtypeStruct((8, L, L), jnp.float32),
            jax.ShapeDtypeStruct((STEPS, 1, NBLK * L), jnp.int32),
            jax.ShapeDtypeStruct((E, L), jnp.float32),
            jax.ShapeDtypeStruct((1, 1), jnp.float32),
            jax.ShapeDtypeStruct((1, 1), jnp.float32),
        ],
    )(x_flat, W_gate, masks_t)


def _sc_body(var_hbm, idx_hbm, out_hbm, idx_v, stg0, stg1, stg2,
             gs0, gs1, gs2, ws0, ws1, ws2):
    wid = lax.axis_index("s") * NC + lax.axis_index("c")
    r0 = wid * RPT
    pltpu.sync_copy(idx_hbm.at[pl.ds(r0, RPT)], idx_v)
    stg = (stg0, stg1, stg2)
    gs = (gs0, gs1, gs2)
    ws = (ws0, ws1, ws2)
    gd = [None] * NBUF
    wd = [None] * NBUF
    parts = len(CHUNKS)
    for c in range(parts):
        s = c % NBUF
        if wd[s] is not None:
            wd[s].wait()
        gd[s] = pltpu.async_copy(
            var_hbm.at[idx_v.at[pl.ds(OFFS[c], CHUNKS[c])]],
            stg[s].at[pl.ds(0, CHUNKS[c])], gs[s])
        if c >= 1:
            sp = (c - 1) % NBUF
            gd[sp].wait()
            wd[sp] = pltpu.async_copy(
                stg[sp].at[pl.ds(0, CHUNKS[c - 1])],
                out_hbm.at[pl.ds(r0 + OFFS[c - 1], CHUNKS[c - 1])], ws[sp])
    lastb = (parts - 1) % NBUF
    gd[lastb].wait()
    wd[lastb] = pltpu.async_copy(
        stg[lastb].at[pl.ds(0, CHUNKS[parts - 1])],
        out_hbm.at[pl.ds(r0 + OFFS[parts - 1], CHUNKS[parts - 1])], ws[lastb])
    for s in range(NBUF):
        if wd[s] is not None:
            wd[s].wait()


def _sc_stage(variants_flat, ridx_flat):
    mesh = plsc.VectorSubcoreMesh(core_axis_name="c", subcore_axis_name="s")
    run = functools.partial(
        pl.kernel,
        out_type=jax.ShapeDtypeStruct((N * L, L), jnp.float32),
        mesh=mesh,
        scratch_types=[
            pltpu.VMEM((RPT,), jnp.int32),
            pltpu.VMEM((CHMAX, L), jnp.float32),
            pltpu.VMEM((CHMAX, L), jnp.float32),
            pltpu.VMEM((CHMAX, L), jnp.float32),
            pltpu.SemaphoreType.DMA,
            pltpu.SemaphoreType.DMA,
            pltpu.SemaphoreType.DMA,
            pltpu.SemaphoreType.DMA,
            pltpu.SemaphoreType.DMA,
            pltpu.SemaphoreType.DMA,
        ],
    )(_sc_body)
    return run(variants_flat, ridx_flat)


def kernel(x, masks, W_gate, W_noise):
    B, H, _, _ = x.shape
    x_flat = x.reshape(B * H, L, L)
    masks_t = jnp.transpose(masks, (1, 0, 2))
    variants, ridx, _sp, _ent, loss = _tc_stage(x_flat, masks_t, W_gate)
    out = _sc_stage(variants.reshape(8 * L, L), ridx.reshape(N * L))
    return out.reshape(B, H, L, L), loss[0, 0]

# --- scband reference (transcript-rebuilt; emitter-appended) ---
"""Pipeline reference for scband-mo-erouter-65309272703214 (READ-ONLY COPY).

The authoritative reference and input builder live on the scoring server;
editing this copy changes nothing except your own understanding.
"""

import jax, jax.numpy as jnp
import numpy as np

TOP_P = 0.5
NUM_EXPERTS = 3
IN_DIM = 512
EPS = 1e-10


def setup_inputs(seed: int = 0) -> dict:
    key = jax.random.key(seed)
    k1, k2, k3, k4 = jax.random.split(key, 4)
    x = jax.random.normal(k1, (4, 16, 512, 512), dtype=jnp.float32)
    masks = jax.random.uniform(k2, (512, NUM_EXPERTS, 512), dtype=jnp.float32)
    W_gate = jax.random.normal(k3, (NUM_EXPERTS, IN_DIM), dtype=jnp.float32) / jnp.sqrt(float(IN_DIM))
    W_noise = jax.random.normal(k4, (NUM_EXPERTS, IN_DIM), dtype=jnp.float32) / jnp.sqrt(float(IN_DIM))
    return {"x": x, "masks": masks, "W_gate": W_gate, "W_noise": W_noise}


def reference(x, masks, W_gate, W_noise):
    # forward with is_training=False (no noise path; W_noise unused)
    B, H, L, _ = x.shape
    E = W_gate.shape[0]
    x_flat = x.reshape(B * H, L, L)
    clean_logits = jnp.einsum('nlk,ek->nle', x_flat, W_gate)  # Linear(in_dim->E, bias=False)
    logits = jax.nn.softmax(clean_logits, axis=2)
    # cross-entropy diversity loss (shape[0] = B*H > 1)
    loss_dynamic = -jnp.sum(logits * jnp.log(logits + EPS), axis=1).mean()
    # descending sort over experts
    order = jnp.argsort(-logits, axis=-1)
    sorted_probs = jnp.take_along_axis(logits, order, axis=-1)
    cumulative_probs = jnp.cumsum(sorted_probs, axis=-1)
    mask = cumulative_probs > TOP_P
    threshold_indices = jnp.argmax(mask.astype(jnp.int32), axis=-1)
    threshold_mask = jnp.arange(E) == threshold_indices[..., None]
    mask = mask & (~threshold_mask)
    keep = (~mask).astype(jnp.float32)
    # scatter 1.0 back to original expert positions where kept
    top_p_mask = jnp.sum(jax.nn.one_hot(order, E, dtype=jnp.float32) * keep[..., None], axis=-2)
    sorted_probs = jnp.where(mask, jnp.zeros_like(sorted_probs), sorted_probs)
    sp_sum = jnp.sum(sorted_probs, axis=0)  # [L, E]
    loss_importance = jnp.var(sp_sum, ddof=1) / (jnp.mean(sp_sum) ** 2 + EPS)  # cv_squared, unbiased var like torch
    loss = loss_importance + 0.1 * loss_dynamic
    gates = top_p_mask.reshape(B, H, L, E).astype(jnp.float32)
    mask_base = jnp.eye(L, dtype=jnp.float32)[None, None]
    final_mask = jnp.einsum('bhli,lid->bhld', gates, masks) + mask_base
    return final_mask, loss

if __name__ == "__main__":
    import jax
    _d = setup_inputs()
    print(jax.jit(kernel)(*tuple(_d.values())))

</pallas_src>

<mosaic_0001>
#map = affine_map<(d0, d1) -> (0, 0)>
#map1 = affine_map<(d0, d1) -> (0)>
module attributes {stable_mosaic.version = 14 : i64} {
  func.func @_sc_body(%arg0: i32, %arg1: i32, %arg2: memref<4096x512xf32, #tpu.memory_space<hbm>>, %arg3: memref<32768xi32, #tpu.memory_space<hbm>>, %arg4: memref<32768x512xf32, #tpu.memory_space<hbm>>, %arg5: memref<1024xi32, #tpu.memory_space<vmem>>, %arg6: memref<80x512xf32, #tpu.memory_space<vmem>>, %arg7: memref<80x512xf32, #tpu.memory_space<vmem>>, %arg8: memref<80x512xf32, #tpu.memory_space<vmem>>, %arg9: memref<!tpu.dma_semaphore, #tpu.memory_space<semaphore_mem>>, %arg10: memref<!tpu.dma_semaphore, #tpu.memory_space<semaphore_mem>>, %arg11: memref<!tpu.dma_semaphore, #tpu.memory_space<semaphore_mem>>, %arg12: memref<!tpu.dma_semaphore, #tpu.memory_space<semaphore_mem>>, %arg13: memref<!tpu.dma_semaphore, #tpu.memory_space<semaphore_mem>>, %arg14: memref<!tpu.dma_semaphore, #tpu.memory_space<semaphore_mem>>) attributes {dimension_semantics = [#tpu.dimension_semantics<core_parallel>, #tpu.dimension_semantics<subcore_parallel>], iteration_bounds = array<i64: 2, 16>, scalar_prefetch = 0 : i64, scratch_operands = 10 : i64, tpu.core_type = #tpu.core_type<sc_vector_subcore>, window_params = [{transform_indices = #map}, {transform_indices = #map1}, {transform_indices = #map}]} {
    %mul3A = arith.constant 2 : i32
    %mul3A_0 = arith.muli %arg1, %mul3A : i32
    %add3A = arith.addi %mul3A_0, %arg0 : i32
    %mul3A_1 = arith.constant 1024 : i32
    %mul3A_2 = arith.muli %add3A, %mul3A_1 : i32
    "tpu.region"() ({
      %run_scoped3A = tpu.sem_alloc : memref<!tpu.dma_semaphore, #tpu.memory_space<semaphore_mem>>
      %dma_start3A_495 = tpu.memref_slice %arg3[%mul3A_2] : memref<32768xi32, #tpu.memory_space<hbm>> -> memref<1024xi32, #tpu.memory_space<hbm>>
      %dma_start3A_496 = tpu.memref_slice %arg3[%mul3A_2] : memref<32768xi32, #tpu.memory_space<hbm>> -> memref<1024xi32, #tpu.memory_space<hbm>>
      tpu.enqueue_dma source(%dma_start3A_496 : memref<1024xi32, #tpu.memory_space<hbm>>) target(%arg5 : memref<1024xi32, #tpu.memory_space<vmem>>) target_semaphore(%run_scoped3A : memref<!tpu.dma_semaphore, #tpu.memory_space<semaphore_mem>>)
      %dma_wait3A_497 = tpu.memref_slice %arg3[%mul3A_2] : memref<32768xi32, #tpu.memory_space<hbm>> -> memref<1024xi32, #tpu.memory_space<hbm>>
      %dma_wait3A_498 = tpu.memref_slice %arg3[%mul3A_2] : memref<32768xi32, #tpu.memory_space<hbm>> -> memref<1024xi32, #tpu.memory_space<hbm>>
      tpu.wait_dma2 semaphore(%run_scoped3A : memref<!tpu.dma_semaphore, #tpu.memory_space<semaphore_mem>>) src(%dma_wait3A_498 : memref<1024xi32, #tpu.memory_space<hbm>>) dst(%arg5 : memref<1024xi32, #tpu.memory_space<vmem>>)
      tpu.yield
    }) : () -> ()
    %dma_start3A = arith.constant 0 : i32
    %dma_start3A_3 = arith.constant 0 : i32
    %dma_start3A_4 = tpu.memref_slice %arg6[%dma_start3A, %dma_start3A_3] : memref<80x512xf32, #tpu.memory_space<vmem>> -> memref<80x512xf32, #tpu.memory_space<vmem>>
    %dma_start3A_5 = arith.constant 0 : i32
    %dma_start3A_6 = tpu.memref_slice %arg5[%dma_start3A_5] : memref<1024xi32, #tpu.memory_space<vmem>> -> memref<80xi32, #tpu.memory_space<vmem>>
    %dma_start3A_7 = arith.constant 0 : i32
    %dma_start3A_8 = arith.constant 0 : i32
    %dma_start3A_9 = tpu.memref_slice %arg2[%dma_start3A_7, %dma_start3A_8] : memref<4096x512xf32, #tpu.memory_space<hbm>> -> memref<4096x512xf32, #tpu.memory_space<hbm>>
    tpu.enqueue_indirect_dma source(%dma_start3A_9 : memref<4096x512xf32, #tpu.memory_space<hbm>>) target(%dma_start3A_4 : memref<80x512xf32, #tpu.memory_space<vmem>>) offsets(%dma_start3A_6 : memref<80xi32, #tpu.memory_space<vmem>>) semaphore(%arg9 : memref<!tpu.dma_semaphore, #tpu.memory_space<semaphore_mem>>)
    %dma_start3A_10 = arith.constant 0 : i32
    %dma_start3A_11 = arith.constant 0 : i32
    %dma_start3A_12 = tpu.memref_slice %arg7[%dma_start3A_10, %dma_start3A_11] : memref<80x512xf32, #tpu.memory_space<vmem>> -> memref<80x512xf32, #tpu.memory_space<vmem>>
    %dma_start3A_13 = arith.constant 80 : i32
    %dma_start3A_14 = tpu.memref_slice %arg5[%dma_start3A_13] : memref<1024xi32, #tpu.memory_space<vmem>> -> memref<80xi32, #tpu.memory_space<vmem>>
    %dma_start3A_15 = arith.constant 0 : i32
    %dma_start3A_16 = arith.constant 0 : i32
    %dma_start3A_17 = tpu.memref_slice %arg2[%dma_start3A_15, %dma_start3A_16] : memref<4096x512xf32, #tpu.memory_space<hbm>> -> memref<4096x512xf32, #tpu.memory_space<hbm>>
    tpu.enqueue_indirect_dma source(%dma_start3A_17 : memref<4096x512xf32, #tpu.memory_space<hbm>>) target(%dma_start3A_12 : memref<80x512xf32, #tpu.memory_space<vmem>>) offsets(%dma_start3A_14 : memref<80xi32, #tpu.memory_space<vmem>>) semaphore(%arg10 : memref<!tpu.dma_semaphore, #tpu.memory_space<semaphore_mem>>)
    %dma_wait3A = arith.constant 0 : i32
    %dma_wait3A_18 = arith.constant 0 : i32
    %dma_wait3A_19 = tpu.memref_slice %arg6[%dma_wait3A, %dma_wait3A_18] : memref<80x512xf32, #tpu.memory_space<vmem>> -> memref<80x512xf32, #tpu.memory_space<vmem>>
    %dma_wait3A_20 = arith.constant 0 : i32
    %dma_wait3A_21 = tpu.memref_slice %arg5[%dma_wait3A_20] : memref<1024xi32, #tpu.memory_space<vmem>> -> memref<80xi32, #tpu.memory_space<vmem>>
    %dma_wait3A_22 = arith.constant 0 : i32
    %dma_wait3A_23 = arith.constant 0 : i32
    %dma_wait3A_24 = tpu.memref_slice %arg2[%dma_wait3A_22, %dma_wait3A_23] : memref<4096x512xf32, #tpu.memory_space<hbm>> -> memref<4096x512xf32, #tpu.memory_space<hbm>>
    tpu.wait_indirect_dma semaphore(%arg9 : memref<!tpu.dma_semaphore, #tpu.memory_space<semaphore_mem>>) src(%dma_wait3A_24 : memref<4096x512xf32, #tpu.memory_space<hbm>>) dst(%dma_wait3A_19 : memref<80x512xf32, #tpu.memory_space<vmem>>)
    %add3A_25 = arith.constant 0 : i32
    %add3A_26 = arith.addi %mul3A_2, %add3A_25 : i32
    %dma_start3A_27 = arith.constant 0 : i32
    %dma_start3A_28 = arith.constant 0 : i32
    %dma_start3A_29 = tpu.memref_slice %arg6[%dma_start3A_27, %dma_start3A_28] : memref<80x512xf32, #tpu.memory_space<vmem>> -> memref<80x512xf32, #tpu.memory_space<vmem>>
    %dma_start3A_30 = arith.constant 0 : i32
    %dma_start3A_31 = tpu.memref_slice %arg4[%add3A_26, %dma_start3A_30] : memref<32768x512xf32, #tpu.memory_space<hbm>> -> memref<80x512xf32, #tpu.memory_space<hbm>>
    %dma_start3A_32 = arith.constant 0 : i32
    %dma_start3A_33 = tpu.memref_slice %arg4[%add3A_26, %dma_start3A_32] : memref<32768x512xf32, #tpu.memory_space<hbm>> -> memref<80x512xf32, #tpu.memory_space<hbm>>
    %dma_start3A_34 = arith.constant 0 : i32
    %dma_start3A_35 = arith.constant 0 : i32
    %dma_start3A_36 = tpu.memref_slice %arg6[%dma_start3A_34, %dma_start3A_35] : memref<80x512xf32, #tpu.memory_space<vmem>> -> memref<80x512xf32, #tpu.memory_space<vmem>>
    tpu.enqueue_dma source(%dma_start3A_36 : memref<80x512xf32, #tpu.memory_space<vmem>>) target(%dma_start3A_33 : memref<80x512xf32, #tpu.memory_space<hbm>>) target_semaphore(%arg12 : memref<!tpu.dma_semaphore, #tpu.memory_space<semaphore_mem>>)
    %dma_start3A_37 = arith.constant 0 : i32
    %dma_start3A_38 = arith.constant 0 : i32
    %dma_start3A_39 = tpu.memref_slice %arg8[%dma_start3A_37, %dma_start3A_38] : memref<80x512xf32, #tpu.memory_space<vmem>> -> memref<80x512xf32, #tpu.memory_space<vmem>>
    %dma_start3A_40 = arith.constant 160 : i32
    %dma_start3A_41 = tpu.memref_slice %arg5[%dma_start3A_40] : memref<1024xi32, #tpu.memory_space<vmem>> -> memref<80xi32, #tpu.memory_space<vmem>>
    %dma_start3A_42 = arith.constant 0 : i32
    %dma_start3A_43 = arith.constant 0 : i32
    %dma_start3A_44 = tpu.memref_slice %arg2[%dma_start3A_42, %dma_start3A_43] : memref<4096x512xf32, #tpu.memory_space<hbm>> -> memref<4096x512xf32, #tpu.memory_space<hbm>>
    tpu.enqueue_indirect_dma source(%dma_start3A_44 : memref<4096x512xf32, #tpu.memory_space<hbm>>) target(%dma_start3A_39 : memref<80x512xf32, #tpu.memory_space<vmem>>) offsets(%dma_start3A_41 : memref<80xi32, #tpu.memory_space<vmem>>) semaphore(%arg11 : memref<!tpu.dma_semaphore, #tpu.memory_space<semaphore_mem>>)
    %dma_wait3A_45 = arith.constant 0 : i32
    %dma_wait3A_46 = arith.constant 0 : i32
    %dma_wait3A_47 = tpu.memref_slice %arg7[%dma_wait3A_45, %dma_wait3A_46] : memref<80x512xf32, #tpu.memory_space<vmem>> -> memref<80x512xf32, #tpu.memory_space<vmem>>
    %dma_wait3A_48 = arith.constant 80 : i32
    %dma_wait3A_49 = tpu.memref_slice %arg5[%dma_wait3A_48] : memref<1024xi32, #tpu.memory_space<vmem>> -> memref<80xi32, #tpu.memory_space<vmem>>
    %dma_wait3A_50 = arith.constant 0 : i32
    %dma_wait3A_51 = arith.constant 0 : i32
    %dma_wait3A_52 = tpu.memref_slice %arg2[%dma_wait3A_50, %dma_wait3A_51] : memref<4096x512xf32, #tpu.memory_space<hbm>> -> memref<4096x512xf32, #tpu.memory_space<hbm>>
    tpu.wait_indirect_dma semaphore(%arg10 : memref<!tpu.dma_semaphore, #tpu.memory_space<semaphore_mem>>) src(%dma_wait3A_52 : memref<4096x512xf32, #tpu.memory_space<hbm>>) dst(%dma_wait3A_47 : memref<80x512xf32, #tpu.memory_space<vmem>>)
    %add3A_53 = arith.constant 80 : i32
    %add3A_54 = arith.addi %mul3A_2, %add3A_53 : i32
    %dma_start3A_55 = arith.constant 0 : i32
    %dma_start3A_56 = arith.constant 0 : i32
    %dma_start3A_57 = tpu.memref_slice %arg7[%dma_start3A_55, %dma_start3A_56] : memref<80x512xf32, #tpu.memory_space<vmem>> -> memref<80x512xf32, #tpu.memory_space<vmem>>
    %dma_start3A_58 = arith.constant 0 : i32
    %dma_start3A_59 = tpu.memref_slice %arg4[%add3A_54, %dma_start3A_58] : memref<32768x512xf32, #tpu.memory_space<hbm>> -> memref<80x512xf32, #tpu.memory_space<hbm>>
    %dma_start3A_60 = arith.constant 0 : i32
    %dma_start3A_61 = tpu.memref_slice %arg4[%add3A_54, %dma_start3A_60] : memref<32768x512xf32, #tpu.memory_space<hbm>> -> memref<80x512xf32, #tpu.memory_space<hbm>>
    %dma_start3A_62 = arith.constant 0 : i32
    %dma_start3A_63 = arith.constant 0 : i32
    %dma_start3A_64 = tpu.memref_slice %arg7[%dma_start3A_62, %dma_start3A_63] : memref<80x512xf32, #tpu.memory_space<vmem>> -> memref<80x512xf32, #tpu.memory_space<vmem>>
    tpu.enqueue_dma source(%dma_start3A_64 : memref<80x512xf32, #tpu.memory_space<vmem>>) target(%dma_start3A_61 : memref<80x512xf32, #tpu.memory_space<hbm>>) target_semaphore(%arg13 : memref<!tpu.dma_semaphore, #tpu.memory_space<semaphore_mem>>)
    %dma_wait3A_65 = arith.constant 0 : i32
    %dma_wait3A_66 = arith.constant 0 : i32
    %dma_wait3A_67 = tpu.memref_slice %arg6[%dma_wait3A_65, %dma_wait3A_66] : memref<80x512xf32, #tpu.memory_space<vmem>> -> memref<80x512xf32, #tpu.memory_space<vmem>>
    %dma_wait3A_68 = arith.constant 0 : i32
    %dma_wait3A_69 = tpu.memref_slice %arg4[%add3A_26, %dma_wait3A_68] : memref<32768x512xf32, #tpu.memory_space<hbm>> -> memref<80x512xf32, #tpu.memory_space<hbm>>
    %dma_wait3A_70 = arith.constant 0 : i32
    %dma_wait3A_71 = tpu.memref_slice %arg4[%add3A_26, %dma_wait3A_70] : memref<32768x512xf32, #tpu.memory_space<hbm>> -> memref<80x512xf32, #tpu.memory_space<hbm>>
    %dma_wait3A_72 = arith.constant 0 : i32
    %dma_wait3A_73 = arith.constant 0 : i32
    %dma_wait3A_74 = tpu.memref_slice %arg6[%dma_wait3A_72, %dma_wait3A_73] : memref<80x512xf32, #tpu.memory_space<vmem>> -> memref<80x512xf32, #tpu.memory_space<vmem>>
    tpu.wait_dma2 semaphore(%arg12 : memref<!tpu.dma_semaphore, #tpu.memory_space<semaphore_mem>>) src(%dma_wait3A_74 : memref<80x512xf32, #tpu.memory_space<vmem>>) dst(%dma_wait3A_71 : memref<80x512xf32, #tpu.memory_space<hbm>>)
    %dma_start3A_75 = arith.constant 0 : i32
    %dma_start3A_76 = arith.constant 0 : i32
    %dma_start3A_77 = tpu.memref_slice %arg6[%dma_start3A_75, %dma_start3A_76] : memref<80x512xf32, #tpu.memory_space<vmem>> -> memref<80x512xf32, #tpu.memory_space<vmem>>
    %dma_start3A_78 = arith.constant 240 : i32
    %dma_start3A_79 = tpu.memref_slice %arg5[%dma_start3A_78] : memref<1024xi32, #tpu.memory_space<vmem>> -> memref<80xi32, #tpu.memory_space<vmem>>
    %dma_start3A_80 = arith.constant 0 : i32
    %dma_start3A_81 = arith.constant 0 : i32
    %dma_start3A_82 = tpu.memref_slice %arg2[%dma_start3A_80, %dma_start3A_81] : memref<4096x512xf32, #tpu.memory_space<hbm>> -> memref<4096x512xf32, #tpu.memory_space<hbm>>
    tpu.enqueue_indirect_dma source(%dma_start3A_82 : memref<4096x512xf32, #tpu.memory_space<hbm>>) target(%dma_start3A_77 : memref<80x512xf32, #tpu.memory_space<vmem>>) offsets(%dma_start3A_79 : memref<80xi32, #tpu.memory_space<vmem>>) semaphore(%arg9 : memref<!tpu.dma_semaphore, #tpu.memory_space<semaphore_mem>>)
    %dma_wait3A_83 = arith.constant 0 : i32
    %dma_wait3A_84 = arith.constant 0 : i32
    %dma_wait3A_85 = tpu.memref_slice %arg8[%dma_wait3A_83, %dma_wait3A_84] : memref<80x512xf32, #tpu.memory_space<vmem>> -> memref<80x512xf32, #tpu.memory_space<vmem>>
    %dma_wait3A_86 = arith.constant 160 : i32
    %dma_wait3A_87 = tpu.memref_slice %arg5[%dma_wait3A_86] : memref<1024xi32, #tpu.memory_space<vmem>> -> memref<80xi32, #tpu.memory_space<vmem>>
    %dma_wait3A_88 = arith.constant 0 : i32
    %dma_wait3A_89 = arith.constant 0 : i32
    %dma_wait3A_90 = tpu.memref_slice %arg2[%dma_wait3A_88, %dma_wait3A_89] : memref<4096x512xf32, #tpu.memory_space<hbm>> -> memref<4096x512xf32, #tpu.memory_space<hbm>>
    tpu.wait_indirect_dma semaphore(%arg11 : memref<!tpu.dma_semaphore, #tpu.memory_space<semaphore_mem>>) src(%dma_wait3A_90 : memref<4096x512xf32, #tpu.memory_space<hbm>>) dst(%dma_wait3A_85 : memref<80x512xf32, #tpu.memory_space<vmem>>)
    %add3A_91 = arith.constant 160 : i32
    %add3A_92 = arith.addi %mul3A_2, %add3A_91 : i32
    %dma_start3A_93 = arith.constant 0 : i32
    %dma_start3A_94 = arith.constant 0 : i32
    %dma_start3A_95 = tpu.memref_slice %arg8[%dma_start3A_93, %dma_start3A_94] : memref<80x512xf32, #tpu.memory_space<vmem>> -> memref<80x512xf32, #tpu.memory_space<vmem>>
    %dma_start3A_96 = arith.constant 0 : i32
    %dma_start3A_97 = tpu.memref_slice %arg4[%add3A_92, %dma_start3A_96] : memref<32768x512xf32, #tpu.memory_space<hbm>> -> memref<80x512xf32, #tpu.memory_space<hbm>>
    %dma_start3A_98 = arith.constant 0 : i32
    %dma_start3A_99 = tpu.memref_slice %arg4[%add3A_92, %dma_start3A_98] : memref<32768x512xf32, #tpu.memory_space<hbm>> -> memref<80x512xf32, #tpu.memory_space<hbm>>
    %dma_start3A_100 = arith.constant 0 : i32
    %dma_start3A_101 = arith.constant 0 : i32
    %dma_start3A_102 = tpu.memref_slice %arg8[%dma_start3A_100, %dma_start3A_101] : memref<80x512xf32, #tpu.memory_space<vmem>> -> memref<80x512xf32, #tpu.memory_space<vmem>>
    tpu.enqueue_dma source(%dma_start3A_102 : memref<80x512xf32, #tpu.memory_space<vmem>>) target(%dma_start3A_99 : memref<80x512xf32, #tpu.memory_space<hbm>>) target_semaphore(%arg14 : memref<!tpu.dma_semaphore, #tpu.memory_space<semaphore_mem>>)
    %dma_wait3A_103 = arith.constant 0 : i32
    %dma_wait3A_104 = arith.constant 0 : i32
    %dma_wait3A_105 = tpu.memref_slice %arg7[%dma_wait3A_103, %dma_wait3A_104] : memref<80x512xf32, #tpu.memory_space<vmem>> -> memref<80x512xf32, #tpu.memory_space<vmem>>
    %dma_wait3A_106 = arith.constant 0 : i32
    %dma_wait3A_107 = tpu.memref_slice %arg4[%add3A_54, %dma_wait3A_106] : memref<32768x512xf32, #tpu.memory_space<hbm>> -> memref<80x512xf32, #tpu.memory_space<hbm>>
    %dma_wait3A_108 = arith.constant 0 : i32
    %dma_wait3A_109 = tpu.memref_slice %arg4[%add3A_54, %dma_wait3A_108] : memref<32768x512xf32, #tpu.memory_space<hbm>> -> memref<80x512xf32, #tpu.memory_space<hbm>>
    %dma_wait3A_110 = arith.constant 0 : i32
    %dma_wait3A_111 = arith.constant 0 : i32
    %dma_wait3A_112 = tpu.memref_slice %arg7[%dma_wait3A_110, %dma_wait3A_111] : memref<80x512xf32, #tpu.memory_space<vmem>> -> memref<80x512xf32, #tpu.memory_space<vmem>>
    tpu.wait_dma2 semaphore(%arg13 : memref<!tpu.dma_semaphore, #tpu.memory_space<semaphore_mem>>) src(%dma_wait3A_112 : memref<80x512xf32, #tpu.memory_space<vmem>>) dst(%dma_wait3A_109 : memref<80x512xf32, #tpu.memory_space<hbm>>)
    %dma_start3A_113 = arith.constant 0 : i32
    %dma_start3A_114 = arith.constant 0 : i32
    %dma_start3A_115 = tpu.memref_slice %arg7[%dma_start3A_113, %dma_start3A_114] : memref<80x512xf32, #tpu.memory_space<vmem>> -> memref<80x512xf32, #tpu.memory_space<vmem>>
    %dma_start3A_116 = arith.constant 320 : i32
    %dma_start3A_117 = tpu.memref_slice %arg5[%dma_start3A_116] : memref<1024xi32, #tpu.memory_space<vmem>> -> memref<80xi32, #tpu.memory_space<vmem>>
    %dma_start3A_118 = arith.constant 0 : i32
    %dma_start3A_119 = arith.constant 0 : i32
    %dma_start3A_120 = tpu.memref_slice %arg2[%dma_start3A_118, %dma_start3A_119] : memref<4096x512xf32, #tpu.memory_space<hbm>> -> memref<4096x512xf32, #tpu.memory_space<hbm>>
    tpu.enqueue_indirect_dma source(%dma_start3A_120 : memref<4096x512xf32, #tpu.memory_space<hbm>>) target(%dma_start3A_115 : memref<80x512xf32, #tpu.memory_space<vmem>>) offsets(%dma_start3A_117 : memref<80xi32, #tpu.memory_space<vmem>>) semaphore(%arg10 : memref<!tpu.dma_semaphore, #tpu.memory_space<semaphore_mem>>)
    %dma_wait3A_121 = arith.constant 0 : i32
    %dma_wait3A_122 = arith.constant 0 : i32
    %dma_wait3A_123 = tpu.memref_slice %arg6[%dma_wait3A_121, %dma_wait3A_122] : memref<80x512xf32, #tpu.memory_space<vmem>> -> memref<80x512xf32, #tpu.memory_space<vmem>>
    %dma_wait3A_124 = arith.constant 240 : i32
    %dma_wait3A_125 = tpu.memref_slice %arg5[%dma_wait3A_124] : memref<1024xi32, #tpu.memory_space<vmem>> -> memref<80xi32, #tpu.memory_space<vmem>>
    %dma_wait3A_126 = arith.constant 0 : i32
    %dma_wait3A_127 = arith.constant 0 : i32
    %dma_wait3A_128 = tpu.memref_slice %arg2[%dma_wait3A_126, %dma_wait3A_127] : memref<4096x512xf32, #tpu.memory_space<hbm>> -> memref<4096x512xf32, #tpu.memory_space<hbm>>
    tpu.wait_indirect_dma semaphore(%arg9 : memref<!tpu.dma_semaphore, #tpu.memory_space<semaphore_mem>>) src(%dma_wait3A_128 : memref<4096x512xf32, #tpu.memory_space<hbm>>) dst(%dma_wait3A_123 : memref<80x512xf32, #tpu.memory_space<vmem>>)
    %add3A_129 = arith.constant 240 : i32
    %add3A_130 = arith.addi %mul3A_2, %add3A_129 : i32
    %dma_start3A_131 = arith.constant 0 : i32
    %dma_start3A_132 = arith.constant 0 : i32
    %dma_start3A_133 = tpu.memref_slice %arg6[%dma_start3A_131, %dma_start3A_132] : memref<80x512xf32, #tpu.memory_space<vmem>> -> memref<80x512xf32, #tpu.memory_space<vmem>>
    %dma_start3A_134 = arith.constant 0 : i32
    %dma_start3A_135 = tpu.memref_slice %arg4[%add3A_130, %dma_start3A_134] : memref<32768x512xf32, #tpu.memory_space<hbm>> -> memref<80x512xf32, #tpu.memory_space<hbm>>
    %dma_start3A_136 = arith.constant 0 : i32
    %dma_start3A_137 = tpu.memref_slice %arg4[%add3A_130, %dma_start3A_136] : memref<32768x512xf32, #tpu.memory_space<hbm>> -> memref<80x512xf32, #tpu.memory_space<hbm>>
    %dma_start3A_138 = arith.constant 0 : i32
    %dma_start3A_139 = arith.constant 0 : i32
    %dma_start3A_140 = tpu.memref_slice %arg6[%dma_start3A_138, %dma_start3A_139] : memref<80x512xf32, #tpu.memory_space<vmem>> -> memref<80x512xf32, #tpu.memory_space<vmem>>
    tpu.enqueue_dma source(%dma_start3A_140 : memref<80x512xf32, #tpu.memory_space<vmem>>) target(%dma_start3A_137 : memref<80x512xf32, #tpu.memory_space<hbm>>) target_semaphore(%arg12 : memref<!tpu.dma_semaphore, #tpu.memory_space<semaphore_mem>>)
    %dma_wait3A_141 = arith.constant 0 : i32
    %dma_wait3A_142 = arith.constant 0 : i32
    %dma_wait3A_143 = tpu.memref_slice %arg8[%dma_wait3A_141, %dma_wait3A_142] : memref<80x512xf32, #tpu.memory_space<vmem>> -> memref<80x512xf32, #tpu.memory_space<vmem>>
    %dma_wait3A_144 = arith.constant 0 : i32
    %dma_wait3A_145 = tpu.memref_slice %arg4[%add3A_92, %dma_wait3A_144] : memref<32768x512xf32, #tpu.memory_space<hbm>> -> memref<80x512xf32, #tpu.memory_space<hbm>>
    %dma_wait3A_146 = arith.constant 0 : i32
    %dma_wait3A_147 = tpu.memref_slice %arg4[%add3A_92, %dma_wait3A_146] : memref<32768x512xf32, #tpu.memory_space<hbm>> -> memref<80x512xf32, #tpu.memory_space<hbm>>
    %dma_wait3A_148 = arith.constant 0 : i32
    %dma_wait3A_149 = arith.constant 0 : i32
    %dma_wait3A_150 = tpu.memref_slice %arg8[%dma_wait3A_148, %dma_wait3A_149] : memref<80x512xf32, #tpu.memory_space<vmem>> -> memref<80x512xf32, #tpu.memory_space<vmem>>
    tpu.wait_dma2 semaphore(%arg14 : memref<!tpu.dma_semaphore, #tpu.memory_space<semaphore_mem>>) src(%dma_wait3A_150 : memref<80x512xf32, #tpu.memory_space<vmem>>) dst(%dma_wait3A_147 : memref<80x512xf32, #tpu.memory_space<hbm>>)
    %dma_start3A_151 = arith.constant 0 : i32
    %dma_start3A_152 = arith.constant 0 : i32
    %dma_start3A_153 = tpu.memref_slice %arg8[%dma_start3A_151, %dma_start3A_152] : memref<80x512xf32, #tpu.memory_space<vmem>> -> memref<80x512xf32, #tpu.memory_space<vmem>>
    %dma_start3A_154 = arith.constant 400 : i32
    %dma_start3A_155 = tpu.memref_slice %arg5[%dma_start3A_154] : memref<1024xi32, #tpu.memory_space<vmem>> -> memref<80xi32, #tpu.memory_space<vmem>>
    %dma_start3A_156 = arith.constant 0 : i32
    %dma_start3A_157 = arith.constant 0 : i32
    %dma_start3A_158 = tpu.memref_slice %arg2[%dma_start3A_156, %dma_start3A_157] : memref<4096x512xf32, #tpu.memory_space<hbm>> -> memref<4096x512xf32, #tpu.memory_space<hbm>>
    tpu.enqueue_indirect_dma source(%dma_start3A_158 : memref<4096x512xf32, #tpu.memory_space<hbm>>) target(%dma_start3A_153 : memref<80x512xf32, #tpu.memory_space<vmem>>) offsets(%dma_start3A_155 : memref<80xi32, #tpu.memory_space<vmem>>) semaphore(%arg11 : memref<!tpu.dma_semaphore, #tpu.memory_space<semaphore_mem>>)
    %dma_wait3A_159 = arith.constant 0 : i32
    %dma_wait3A_160 = arith.constant 0 : i32
    %dma_wait3A_161 = tpu.memref_slice %arg7[%dma_wait3A_159, %dma_wait3A_160] : memref<80x512xf32, #tpu.memory_space<vmem>> -> memref<80x512xf32, #tpu.memory_space<vmem>>
    %dma_wait3A_162 = arith.constant 320 : i32
    %dma_wait3A_163 = tpu.memref_slice %arg5[%dma_wait3A_162] : memref<1024xi32, #tpu.memory_space<vmem>> -> memref<80xi32, #tpu.memory_space<vmem>>
    %dma_wait3A_164 = arith.constant 0 : i32
    %dma_wait3A_165 = arith.constant 0 : i32
    %dma_wait3A_166 = tpu.memref_slice %arg2[%dma_wait3A_164, %dma_wait3A_165] : memref<4096x512xf32, #tpu.memory_space<hbm>> -> memref<4096x512xf32, #tpu.memory_space<hbm>>
    tpu.wait_indirect_dma semaphore(%arg10 : memref<!tpu.dma_semaphore, #tpu.memory_space<semaphore_mem>>) src(%dma_wait3A_166 : memref<4096x512xf32, #tpu.memory_space<hbm>>) dst(%dma_wait3A_161 : memref<80x512xf32, #tpu.memory_space<vmem>>)
    %add3A_167 = arith.constant 320 : i32
    %add3A_168 = arith.addi %mul3A_2, %add3A_167 : i32
    %dma_start3A_169 = arith.constant 0 : i32
    %dma_start3A_170 = arith.constant 0 : i32
    %dma_start3A_171 = tpu.memref_slice %arg7[%dma_start3A_169, %dma_start3A_170] : memref<80x512xf32, #tpu.memory_space<vmem>> -> memref<80x512xf32, #tpu.memory_space<vmem>>
    %dma_start3A_172 = arith.constant 0 : i32
    %dma_start3A_173 = tpu.memref_slice %arg4[%add3A_168, %dma_start3A_172] : memref<32768x512xf32, #tpu.memory_space<hbm>> -> memref<80x512xf32, #tpu.memory_space<hbm>>
    %dma_start3A_174 = arith.constant 0 : i32
    %dma_start3A_175 = tpu.memref_slice %arg4[%add3A_168, %dma_start3A_174] : memref<32768x512xf32, #tpu.memory_space<hbm>> -> memref<80x512xf32, #tpu.memory_space<hbm>>
    %dma_start3A_176 = arith.constant 0 : i32
    %dma_start3A_177 = arith.constant 0 : i32
    %dma_start3A_178 = tpu.memref_slice %arg7[%dma_start3A_176, %dma_start3A_177] : memref<80x512xf32, #tpu.memory_space<vmem>> -> memref<80x512xf32, #tpu.memory_space<vmem>>
    tpu.enqueue_dma source(%dma_start3A_178 : memref<80x512xf32, #tpu.memory_space<vmem>>) target(%dma_start3A_175 : memref<80x512xf32, #tpu.memory_space<hbm>>) target_semaphore(%arg13 : memref<!tpu.dma_semaphore, #tpu.memory_space<semaphore_mem>>)
    %dma_wait3A_179 = arith.constant 0 : i32
    %dma_wait3A_180 = arith.constant 0 : i32
    %dma_wait3A_181 = tpu.memref_slice %arg6[%dma_wait3A_179, %dma_wait3A_180] : memref<80x512xf32, #tpu.memory_space<vmem>> -> memref<80x512xf32, #tpu.memory_space<vmem>>
    %dma_wait3A_182 = arith.constant 0 : i32
    %dma_wait3A_183 = tpu.memref_slice %arg4[%add3A_130, %dma_wait3A_182] : memref<32768x512xf32, #tpu.memory_space<hbm>> -> memref<80x512xf32, #tpu.memory_space<hbm>>
    %dma_wait3A_184 = arith.constant 0 : i32
    %dma_wait3A_185 = tpu.memref_slice %arg4[%add3A_130, %dma_wait3A_184] : memref<32768x512xf32, #tpu.memory_space<hbm>> -> memref<80x512xf32, #tpu.memory_space<hbm>>
    %dma_wait3A_186 = arith.constant 0 : i32
    %dma_wait3A_187 = arith.constant 0 : i32
    %dma_wait3A_188 = tpu.memref_slice %arg6[%dma_wait3A_186, %dma_wait3A_187] : memref<80x512xf32, #tpu.memory_space<vmem>> -> memref<80x512xf32, #tpu.memory_space<vmem>>
    tpu.wait_dma2 semaphore(%arg12 : memref<!tpu.dma_semaphore, #tpu.memory_space<semaphore_mem>>) src(%dma_wait3A_188 : memref<80x512xf32, #tpu.memory_space<vmem>>) dst(%dma_wait3A_185 : memref<80x512xf32, #tpu.memory_space<hbm>>)
    %dma_start3A_189 = arith.constant 0 : i32
    %dma_start3A_190 = arith.constant 0 : i32
    %dma_start3A_191 = tpu.memref_slice %arg6[%dma_start3A_189, %dma_start3A_190] : memref<80x512xf32, #tpu.memory_space<vmem>> -> memref<80x512xf32, #tpu.memory_space<vmem>>
    %dma_start3A_192 = arith.constant 480 : i32
    %dma_start3A_193 = tpu.memref_slice %arg5[%dma_start3A_192] : memref<1024xi32, #tpu.memory_space<vmem>> -> memref<80xi32, #tpu.memory_space<vmem>>
    %dma_start3A_194 = arith.constant 0 : i32
    %dma_start3A_195 = arith.constant 0 : i32
    %dma_start3A_196 = tpu.memref_slice %arg2[%dma_start3A_194, %dma_start3A_195] : memref<4096x512xf32, #tpu.memory_space<hbm>> -> memref<4096x512xf32, #tpu.memory_space<hbm>>
    tpu.enqueue_indirect_dma source(%dma_start3A_196 : memref<4096x512xf32, #tpu.memory_space<hbm>>) target(%dma_start3A_191 : memref<80x512xf32, #tpu.memory_space<vmem>>) offsets(%dma_start3A_193 : memref<80xi32, #tpu.memory_space<vmem>>) semaphore(%arg9 : memref<!tpu.dma_semaphore, #tpu.memory_space<semaphore_mem>>)
    %dma_wait3A_197 = arith.constant 0 : i32
    %dma_wait3A_198 = arith.constant 0 : i32
    %dma_wait3A_199 = tpu.memref_slice %arg8[%dma_wait3A_197, %dma_wait3A_198] : memref<80x512xf32, #tpu.memory_space<vmem>> -> memref<80x512xf32, #tpu.memory_space<vmem>>
    %dma_wait3A_200 = arith.constant 400 : i32
    %dma_wait3A_201 = tpu.memref_slice %arg5[%dma_wait3A_200] : memref<1024xi32, #tpu.memory_space<vmem>> -> memref<80xi32, #tpu.memory_space<vmem>>
    %dma_wait3A_202 = arith.constant 0 : i32
    %dma_wait3A_203 = arith.constant 0 : i32
    %dma_wait3A_204 = tpu.memref_slice %arg2[%dma_wait3A_202, %dma_wait3A_203] : memref<4096x512xf32, #tpu.memory_space<hbm>> -> memref<4096x512xf32, #tpu.memory_space<hbm>>
    tpu.wait_indirect_dma semaphore(%arg11 : memref<!tpu.dma_semaphore, #tpu.memory_space<semaphore_mem>>) src(%dma_wait3A_204 : memref<4096x512xf32, #tpu.memory_space<hbm>>) dst(%dma_wait3A_199 : memref<80x512xf32, #tpu.memory_space<vmem>>)
    %add3A_205 = arith.constant 400 : i32
    %add3A_206 = arith.addi %mul3A_2, %add3A_205 : i32
    %dma_start3A_207 = arith.constant 0 : i32
    %dma_start3A_208 = arith.constant 0 : i32
    %dma_start3A_209 = tpu.memref_slice %arg8[%dma_start3A_207, %dma_start3A_208] : memref<80x512xf32, #tpu.memory_space<vmem>> -> memref<80x512xf32, #tpu.memory_space<vmem>>
    %dma_start3A_210 = arith.constant 0 : i32
    %dma_start3A_211 = tpu.memref_slice %arg4[%add3A_206, %dma_start3A_210] : memref<32768x512xf32, #tpu.memory_space<hbm>> -> memref<80x512xf32, #tpu.memory_space<hbm>>
    %dma_start3A_212 = arith.constant 0 : i32
    %dma_start3A_213 = tpu.memref_slice %arg4[%add3A_206, %dma_start3A_212] : memref<32768x512xf32, #tpu.memory_space<hbm>> -> memref<80x512xf32, #tpu.memory_space<hbm>>
    %dma_start3A_214 = arith.constant 0 : i32
    %dma_start3A_215 = arith.constant 0 : i32
    %dma_start3A_216 = tpu.memref_slice %arg8[%dma_start3A_214, %dma_start3A_215] : memref<80x512xf32, #tpu.memory_space<vmem>> -> memref<80x512xf32, #tpu.memory_space<vmem>>
    tpu.enqueue_dma source(%dma_start3A_216 : memref<80x512xf32, #tpu.memory_space<vmem>>) target(%dma_start3A_213 : memref<80x512xf32, #tpu.memory_space<hbm>>) target_semaphore(%arg14 : memref<!tpu.dma_semaphore, #tpu.memory_space<semaphore_mem>>)
    %dma_wait3A_217 = arith.constant 0 : i32
    %dma_wait3A_218 = arith.constant 0 : i32
    %dma_wait3A_219 = tpu.memref_slice %arg7[%dma_wait3A_217, %dma_wait3A_218] : memref<80x512xf32, #tpu.memory_space<vmem>> -> memref<80x512xf32, #tpu.memory_space<vmem>>
    %dma_wait3A_220 = arith.constant 0 : i32
    %dma_wait3A_221 = tpu.memref_slice %arg4[%add3A_168, %dma_wait3A_220] : memref<32768x512xf32, #tpu.memory_space<hbm>> -> memref<80x512xf32, #tpu.memory_space<hbm>>
    %dma_wait3A_222 = arith.constant 0 : i32
    %dma_wait3A_223 = tpu.memref_slice %arg4[%add3A_168, %dma_wait3A_222] : memref<32768x512xf32, #tpu.memory_space<hbm>> -> memref<80x512xf32, #tpu.memory_space<hbm>>
    %dma_wait3A_224 = arith.constant 0 : i32
    %dma_wait3A_225 = arith.constant 0 : i32
    %dma_wait3A_226 = tpu.memref_slice %arg7[%dma_wait3A_224, %dma_wait3A_225] : memref<80x512xf32, #tpu.memory_space<vmem>> -> memref<80x512xf32, #tpu.memory_space<vmem>>
    tpu.wait_dma2 semaphore(%arg13 : memref<!tpu.dma_semaphore, #tpu.memory_space<semaphore_mem>>) src(%dma_wait3A_226 : memref<80x512xf32, #tpu.memory_space<vmem>>) dst(%dma_wait3A_223 : memref<80x512xf32, #tpu.memory_space<hbm>>)
    %dma_start3A_227 = arith.constant 0 : i32
    %dma_start3A_228 = arith.constant 0 : i32
    %dma_start3A_229 = tpu.memref_slice %arg7[%dma_start3A_227, %dma_start3A_228] : memref<80x512xf32, #tpu.memory_space<vmem>> -> memref<80x512xf32, #tpu.memory_space<vmem>>
    %dma_start3A_230 = arith.constant 560 : i32
    %dma_start3A_231 = tpu.memref_slice %arg5[%dma_start3A_230] : memref<1024xi32, #tpu.memory_space<vmem>> -> memref<80xi32, #tpu.memory_space<vmem>>
    %dma_start3A_232 = arith.constant 0 : i32
    %dma_start3A_233 = arith.constant 0 : i32
    %dma_start3A_234 = tpu.memref_slice %arg2[%dma_start3A_232, %dma_start3A_233] : memref<4096x512xf32, #tpu.memory_space<hbm>> -> memref<4096x512xf32, #tpu.memory_space<hbm>>
    tpu.enqueue_indirect_dma source(%dma_start3A_234 : memref<4096x512xf32, #tpu.memory_space<hbm>>) target(%dma_start3A_229 : memref<80x512xf32, #tpu.memory_space<vmem>>) offsets(%dma_start3A_231 : memref<80xi32, #tpu.memory_space<vmem>>) semaphore(%arg10 : memref<!tpu.dma_semaphore, #tpu.memory_space<semaphore_mem>>)
    %dma_wait3A_235 = arith.constant 0 : i32
    %dma_wait3A_236 = arith.constant 0 : i32
    %dma_wait3A_237 = tpu.memref_slice %arg6[%dma_wait3A_235, %dma_wait3A_236] : memref<80x512xf32, #tpu.memory_space<vmem>> -> memref<80x512xf32, #tpu.memory_space<vmem>>
    %dma_wait3A_238 = arith.constant 480 : i32
    %dma_wait3A_239 = tpu.memref_slice %arg5[%dma_wait3A_238] : memref<1024xi32, #tpu.memory_space<vmem>> -> memref<80xi32, #tpu.memory_space<vmem>>
    %dma_wait3A_240 = arith.constant 0 : i32
    %dma_wait3A_241 = arith.constant 0 : i32
    %dma_wait3A_242 = tpu.memref_slice %arg2[%dma_wait3A_240, %dma_wait3A_241] : memref<4096x512xf32, #tpu.memory_space<hbm>> -> memref<4096x512xf32, #tpu.memory_space<hbm>>
    tpu.wait_indirect_dma semaphore(%arg9 : memref<!tpu.dma_semaphore, #tpu.memory_space<semaphore_mem>>) src(%dma_wait3A_242 : memref<4096x512xf32, #tpu.memory_space<hbm>>) dst(%dma_wait3A_237 : memref<80x512xf32, #tpu.memory_space<vmem>>)
    %add3A_243 = arith.constant 480 : i32
    %add3A_244 = arith.addi %mul3A_2, %add3A_243 : i32
    %dma_start3A_245 = arith.constant 0 : i32
    %dma_start3A_246 = arith.constant 0 : i32
    %dma_start3A_247 = tpu.memref_slice %arg6[%dma_start3A_245, %dma_start3A_246] : memref<80x512xf32, #tpu.memory_space<vmem>> -> memref<80x512xf32, #tpu.memory_space<vmem>>
    %dma_start3A_248 = arith.constant 0 : i32
    %dma_start3A_249 = tpu.memref_slice %arg4[%add3A_244, %dma_start3A_248] : memref<32768x512xf32, #tpu.memory_space<hbm>> -> memref<80x512xf32, #tpu.memory_space<hbm>>
    %dma_start3A_250 = arith.constant 0 : i32
    %dma_start3A_251 = tpu.memref_slice %arg4[%add3A_244, %dma_start3A_250] : memref<32768x512xf32, #tpu.memory_space<hbm>> -> memref<80x512xf32, #tpu.memory_space<hbm>>
    %dma_start3A_252 = arith.constant 0 : i32
    %dma_start3A_253 = arith.constant 0 : i32
    %dma_start3A_254 = tpu.memref_slice %arg6[%dma_start3A_252, %dma_start3A_253] : memref<80x512xf32, #tpu.memory_space<vmem>> -> memref<80x512xf32, #tpu.memory_space<vmem>>
    tpu.enqueue_dma source(%dma_start3A_254 : memref<80x512xf32, #tpu.memory_space<vmem>>) target(%dma_start3A_251 : memref<80x512xf32, #tpu.memory_space<hbm>>) target_semaphore(%arg12 : memref<!tpu.dma_semaphore, #tpu.memory_space<semaphore_mem>>)
    %dma_wait3A_255 = arith.constant 0 : i32
    %dma_wait3A_256 = arith.constant 0 : i32
    %dma_wait3A_257 = tpu.memref_slice %arg8[%dma_wait3A_255, %dma_wait3A_256] : memref<80x512xf32, #tpu.memory_space<vmem>> -> memref<80x512xf32, #tpu.memory_space<vmem>>
    %dma_wait3A_258 = arith.constant 0 : i32
    %dma_wait3A_259 = tpu.memref_slice %arg4[%add3A_206, %dma_wait3A_258] : memref<32768x512xf32, #tpu.memory_space<hbm>> -> memref<80x512xf32, #tpu.memory_space<hbm>>
    %dma_wait3A_260 = arith.constant 0 : i32
    %dma_wait3A_261 = tpu.memref_slice %arg4[%add3A_206, %dma_wait3A_260] : memref<32768x512xf32, #tpu.memory_space<hbm>> -> memref<80x512xf32, #tpu.memory_space<hbm>>
    %dma_wait3A_262 = arith.constant 0 : i32
    %dma_wait3A_263 = arith.constant 0 : i32
    %dma_wait3A_264 = tpu.memref_slice %arg8[%dma_wait3A_262, %dma_wait3A_263] : memref<80x512xf32, #tpu.memory_space<vmem>> -> memref<80x512xf32, #tpu.memory_space<vmem>>
    tpu.wait_dma2 semaphore(%arg14 : memref<!tpu.dma_semaphore, #tpu.memory_space<semaphore_mem>>) src(%dma_wait3A_264 : memref<80x512xf32, #tpu.memory_space<vmem>>) dst(%dma_wait3A_261 : memref<80x512xf32, #tpu.memory_space<hbm>>)
    %dma_start3A_265 = arith.constant 0 : i32
    %dma_start3A_266 = arith.constant 0 : i32
    %dma_start3A_267 = tpu.memref_slice %arg8[%dma_start3A_265, %dma_start3A_266] : memref<80x512xf32, #tpu.memory_space<vmem>> -> memref<80x512xf32, #tpu.memory_space<vmem>>
    %dma_start3A_268 = arith.constant 640 : i32
    %dma_start3A_269 = tpu.memref_slice %arg5[%dma_start3A_268] : memref<1024xi32, #tpu.memory_space<vmem>> -> memref<80xi32, #tpu.memory_space<vmem>>
    %dma_start3A_270 = arith.constant 0 : i32
    %dma_start3A_271 = arith.constant 0 : i32
    %dma_start3A_272 = tpu.memref_slice %arg2[%dma_start3A_270, %dma_start3A_271] : memref<4096x512xf32, #tpu.memory_space<hbm>> -> memref<4096x512xf32, #tpu.memory_space<hbm>>
    tpu.enqueue_indirect_dma source(%dma_start3A_272 : memref<4096x512xf32, #tpu.memory_space<hbm>>) target(%dma_start3A_267 : memref<80x512xf32, #tpu.memory_space<vmem>>) offsets(%dma_start3A_269 : memref<80xi32, #tpu.memory_space<vmem>>) semaphore(%arg11 : memref<!tpu.dma_semaphore, #tpu.memory_space<semaphore_mem>>)
    %dma_wait3A_273 = arith.constant 0 : i32
    %dma_wait3A_274 = arith.constant 0 : i32
    %dma_wait3A_275 = tpu.memref_slice %arg7[%dma_wait3A_273, %dma_wait3A_274] : memref<80x512xf32, #tpu.memory_space<vmem>> -> memref<80x512xf32, #tpu.memory_space<vmem>>
    %dma_wait3A_276 = arith.constant 560 : i32
    %dma_wait3A_277 = tpu.memref_slice %arg5[%dma_wait3A_276] : memref<1024xi32, #tpu.memory_space<vmem>> -> memref<80xi32, #tpu.memory_space<vmem>>
    %dma_wait3A_278 = arith.constant 0 : i32
    %dma_wait3A_279 = arith.constant 0 : i32
    %dma_wait3A_280 = tpu.memref_slice %arg2[%dma_wait3A_278, %dma_wait3A_279] : memref<4096x512xf32, #tpu.memory_space<hbm>> -> memref<4096x512xf32, #tpu.memory_space<hbm>>
    tpu.wait_indirect_dma semaphore(%arg10 : memref<!tpu.dma_semaphore, #tpu.memory_space<semaphore_mem>>) src(%dma_wait3A_280 : memref<4096x512xf32, #tpu.memory_space<hbm>>) dst(%dma_wait3A_275 : memref<80x512xf32, #tpu.memory_space<vmem>>)
    %add3A_281 = arith.constant 560 : i32
    %add3A_282 = arith.addi %mul3A_2, %add3A_281 : i32
    %dma_start3A_283 = arith.constant 0 : i32
    %dma_start3A_284 = arith.constant 0 : i32
    %dma_start3A_285 = tpu.memref_slice %arg7[%dma_start3A_283, %dma_start3A_284] : memref<80x512xf32, #tpu.memory_space<vmem>> -> memref<80x512xf32, #tpu.memory_space<vmem>>
    %dma_start3A_286 = arith.constant 0 : i32
    %dma_start3A_287 = tpu.memref_slice %arg4[%add3A_282, %dma_start3A_286] : memref<32768x512xf32, #tpu.memory_space<hbm>> -> memref<80x512xf32, #tpu.memory_space<hbm>>
    %dma_start3A_288 = arith.constant 0 : i32
    %dma_start3A_289 = tpu.memref_slice %arg4[%add3A_282, %dma_start3A_288] : memref<32768x512xf32, #tpu.memory_space<hbm>> -> memref<80x512xf32, #tpu.memory_space<hbm>>
    %dma_start3A_290 = arith.constant 0 : i32
    %dma_start3A_291 = arith.constant 0 : i32
    %dma_start3A_292 = tpu.memref_slice %arg7[%dma_start3A_290, %dma_start3A_291] : memref<80x512xf32, #tpu.memory_space<vmem>> -> memref<80x512xf32, #tpu.memory_space<vmem>>
    tpu.enqueue_dma source(%dma_start3A_292 : memref<80x512xf32, #tpu.memory_space<vmem>>) target(%dma_start3A_289 : memref<80x512xf32, #tpu.memory_space<hbm>>) target_semaphore(%arg13 : memref<!tpu.dma_semaphore, #tpu.memory_space<semaphore_mem>>)
    %dma_wait3A_293 = arith.constant 0 : i32
    %dma_wait3A_294 = arith.constant 0 : i32
    %dma_wait3A_295 = tpu.memref_slice %arg6[%dma_wait3A_293, %dma_wait3A_294] : memref<80x512xf32, #tpu.memory_space<vmem>> -> memref<80x512xf32, #tpu.memory_space<vmem>>
    %dma_wait3A_296 = arith.constant 0 : i32
    %dma_wait3A_297 = tpu.memref_slice %arg4[%add3A_244, %dma_wait3A_296] : memref<32768x512xf32, #tpu.memory_space<hbm>> -> memref<80x512xf32, #tpu.memory_space<hbm>>
    %dma_wait3A_298 = arith.constant 0 : i32
    %dma_wait3A_299 = tpu.memref_slice %arg4[%add3A_244, %dma_wait3A_298] : memref<32768x512xf32, #tpu.memory_space<hbm>> -> memref<80x512xf32, #tpu.memory_space<hbm>>
    %dma_wait3A_300 = arith.constant 0 : i32
    %dma_wait3A_301 = arith.constant 0 : i32
    %dma_wait3A_302 = tpu.memref_slice %arg6[%dma_wait3A_300, %dma_wait3A_301] : memref<80x512xf32, #tpu.memory_space<vmem>> -> memref<80x512xf32, #tpu.memory_space<vmem>>
    tpu.wait_dma2 semaphore(%arg12 : memref<!tpu.dma_semaphore, #tpu.memory_space<semaphore_mem>>) src(%dma_wait3A_302 : memref<80x512xf32, #tpu.memory_space<vmem>>) dst(%dma_wait3A_299 : memref<80x512xf32, #tpu.memory_space<hbm>>)
    %dma_start3A_303 = arith.constant 0 : i32
    %dma_start3A_304 = arith.constant 0 : i32
    %dma_start3A_305 = tpu.memref_slice %arg6[%dma_start3A_303, %dma_start3A_304] : memref<80x512xf32, #tpu.memory_space<vmem>> -> memref<80x512xf32, #tpu.memory_space<vmem>>
    %dma_start3A_306 = arith.constant 720 : i32
    %dma_start3A_307 = tpu.memref_slice %arg5[%dma_start3A_306] : memref<1024xi32, #tpu.memory_space<vmem>> -> memref<80xi32, #tpu.memory_space<vmem>>
    %dma_start3A_308 = arith.constant 0 : i32
    %dma_start3A_309 = arith.constant 0 : i32
    %dma_start3A_310 = tpu.memref_slice %arg2[%dma_start3A_308, %dma_start3A_309] : memref<4096x512xf32, #tpu.memory_space<hbm>> -> memref<4096x512xf32, #tpu.memory_space<hbm>>
    tpu.enqueue_indirect_dma source(%dma_start3A_310 : memref<4096x512xf32, #tpu.memory_space<hbm>>) target(%dma_start3A_305 : memref<80x512xf32, #tpu.memory_space<vmem>>) offsets(%dma_start3A_307 : memref<80xi32, #tpu.memory_space<vmem>>) semaphore(%arg9 : memref<!tpu.dma_semaphore, #tpu.memory_space<semaphore_mem>>)
    %dma_wait3A_311 = arith.constant 0 : i32
    %dma_wait3A_312 = arith.constant 0 : i32
    %dma_wait3A_313 = tpu.memref_slice %arg8[%dma_wait3A_311, %dma_wait3A_312] : memref<80x512xf32, #tpu.memory_space<vmem>> -> memref<80x512xf32, #tpu.memory_space<vmem>>
    %dma_wait3A_314 = arith.constant 640 : i32
    %dma_wait3A_315 = tpu.memref_slice %arg5[%dma_wait3A_314] : memref<1024xi32, #tpu.memory_space<vmem>> -> memref<80xi32, #tpu.memory_space<vmem>>
    %dma_wait3A_316 = arith.constant 0 : i32
    %dma_wait3A_317 = arith.constant 0 : i32
    %dma_wait3A_318 = tpu.memref_slice %arg2[%dma_wait3A_316, %dma_wait3A_317] : memref<4096x512xf32, #tpu.memory_space<hbm>> -> memref<4096x512xf32, #tpu.memory_space<hbm>>
    tpu.wait_indirect_dma semaphore(%arg11 : memref<!tpu.dma_semaphore, #tpu.memory_space<semaphore_mem>>) src(%dma_wait3A_318 : memref<4096x512xf32, #tpu.memory_space<hbm>>) dst(%dma_wait3A_313 : memref<80x512xf32, #tpu.memory_space<vmem>>)
    %add3A_319 = arith.constant 640 : i32
    %add3A_320 = arith.addi %mul3A_2, %add3A_319 : i32
    %dma_start3A_321 = arith.constant 0 : i32
    %dma_start3A_322 = arith.constant 0 : i32
    %dma_start3A_323 = tpu.memref_slice %arg8[%dma_start3A_321, %dma_start3A_322] : memref<80x512xf32, #tpu.memory_space<vmem>> -> memref<80x512xf32, #tpu.memory_space<vmem>>
    %dma_start3A_324 = arith.constant 0 : i32
    %dma_start3A_325 = tpu.memref_slice %arg4[%add3A_320, %dma_start3A_324] : memref<32768x512xf32, #tpu.memory_space<hbm>> -> memref<80x512xf32, #tpu.memory_space<hbm>>
    %dma_start3A_326 = arith.constant 0 : i32
    %dma_start3A_327 = tpu.memref_slice %arg4[%add3A_320, %dma_start3A_326] : memref<32768x512xf32, #tpu.memory_space<hbm>> -> memref<80x512xf32, #tpu.memory_space<hbm>>
    %dma_start3A_328 = arith.constant 0 : i32
    %dma_start3A_329 = arith.constant 0 : i32
    %dma_start3A_330 = tpu.memref_slice %arg8[%dma_start3A_328, %dma_start3A_329] : memref<80x512xf32, #tpu.memory_space<vmem>> -> memref<80x512xf32, #tpu.memory_space<vmem>>
    tpu.enqueue_dma source(%dma_start3A_330 : memref<80x512xf32, #tpu.memory_space<vmem>>) target(%dma_start3A_327 : memref<80x512xf32, #tpu.memory_space<hbm>>) target_semaphore(%arg14 : memref<!tpu.dma_semaphore, #tpu.memory_space<semaphore_mem>>)
    %dma_wait3A_331 = arith.constant 0 : i32
    %dma_wait3A_332 = arith.constant 0 : i32
    %dma_wait3A_333 = tpu.memref_slice %arg7[%dma_wait3A_331, %dma_wait3A_332] : memref<80x512xf32, #tpu.memory_space<vmem>> -> memref<80x512xf32, #tpu.memory_space<vmem>>
    %dma_wait3A_334 = arith.constant 0 : i32
    %dma_wait3A_335 = tpu.memref_slice %arg4[%add3A_282, %dma_wait3A_334] : memref<32768x512xf32, #tpu.memory_space<hbm>> -> memref<80x512xf32, #tpu.memory_space<hbm>>
    %dma_wait3A_336 = arith.constant 0 : i32
    %dma_wait3A_337 = tpu.memref_slice %arg4[%add3A_282, %dma_wait3A_336] : memref<32768x512xf32, #tpu.memory_space<hbm>> -> memref<80x512xf32, #tpu.memory_space<hbm>>
    %dma_wait3A_338 = arith.constant 0 : i32
    %dma_wait3A_339 = arith.constant 0 : i32
    %dma_wait3A_340 = tpu.memref_slice %arg7[%dma_wait3A_338, %dma_wait3A_339] : memref<80x512xf32, #tpu.memory_space<vmem>> -> memref<80x512xf32, #tpu.memory_space<vmem>>
    tpu.wait_dma2 semaphore(%arg13 : memref<!tpu.dma_semaphore, #tpu.memory_space<semaphore_mem>>) src(%dma_wait3A_340 : memref<80x512xf32, #tpu.memory_space<vmem>>) dst(%dma_wait3A_337 : memref<80x512xf32, #tpu.memory_space<hbm>>)
    %dma_start3A_341 = arith.constant 0 : i32
    %dma_start3A_342 = arith.constant 0 : i32
    %dma_start3A_343 = tpu.memref_slice %arg7[%dma_start3A_341, %dma_start3A_342] : memref<80x512xf32, #tpu.memory_space<vmem>> -> memref<80x512xf32, #tpu.memory_space<vmem>>
    %dma_start3A_344 = arith.constant 800 : i32
    %dma_start3A_345 = tpu.memref_slice %arg5[%dma_start3A_344] : memref<1024xi32, #tpu.memory_space<vmem>> -> memref<80xi32, #tpu.memory_space<vmem>>
    %dma_start3A_346 = arith.constant 0 : i32
    %dma_start3A_347 = arith.constant 0 : i32
    %dma_start3A_348 = tpu.memref_slice %arg2[%dma_start3A_346, %dma_start3A_347] : memref<4096x512xf32, #tpu.memory_space<hbm>> -> memref<4096x512xf32, #tpu.memory_space<hbm>>
    tpu.enqueue_indirect_dma source(%dma_start3A_348 : memref<4096x512xf32, #tpu.memory_space<hbm>>) target(%dma_start3A_343 : memref<80x512xf32, #tpu.memory_space<vmem>>) offsets(%dma_start3A_345 : memref<80xi32, #tpu.memory_space<vmem>>) semaphore(%arg10 : memref<!tpu.dma_semaphore, #tpu.memory_space<semaphore_mem>>)
    %dma_wait3A_349 = arith.constant 0 : i32
    %dma_wait3A_350 = arith.constant 0 : i32
    %dma_wait3A_351 = tpu.memref_slice %arg6[%dma_wait3A_349, %dma_wait3A_350] : memref<80x512xf32, #tpu.memory_space<vmem>> -> memref<80x512xf32, #tpu.memory_space<vmem>>
    %dma_wait3A_352 = arith.constant 720 : i32
    %dma_wait3A_353 = tpu.memref_slice %arg5[%dma_wait3A_352] : memref<1024xi32, #tpu.memory_space<vmem>> -> memref<80xi32, #tpu.memory_space<vmem>>
    %dma_wait3A_354 = arith.constant 0 : i32
    %dma_wait3A_355 = arith.constant 0 : i32
    %dma_wait3A_356 = tpu.memref_slice %arg2[%dma_wait3A_354, %dma_wait3A_355] : memref<4096x512xf32, #tpu.memory_space<hbm>> -> memref<4096x512xf32, #tpu.memory_space<hbm>>
    tpu.wait_indirect_dma semaphore(%arg9 : memref<!tpu.dma_semaphore, #tpu.memory_space<semaphore_mem>>) src(%dma_wait3A_356 : memref<4096x512xf32, #tpu.memory_space<hbm>>) dst(%dma_wait3A_351 : memref<80x512xf32, #tpu.memory_space<vmem>>)
    %add3A_357 = arith.constant 720 : i32
    %add3A_358 = arith.addi %mul3A_2, %add3A_357 : i32
    %dma_start3A_359 = arith.constant 0 : i32
    %dma_start3A_360 = arith.constant 0 : i32
    %dma_start3A_361 = tpu.memref_slice %arg6[%dma_start3A_359, %dma_start3A_360] : memref<80x512xf32, #tpu.memory_space<vmem>> -> memref<80x512xf32, #tpu.memory_space<vmem>>
    %dma_start3A_362 = arith.constant 0 : i32
    %dma_start3A_363 = tpu.memref_slice %arg4[%add3A_358, %dma_start3A_362] : memref<32768x512xf32, #tpu.memory_space<hbm>> -> memref<80x512xf32, #tpu.memory_space<hbm>>
    %dma_start3A_364 = arith.constant 0 : i32
    %dma_start3A_365 = tpu.memref_slice %arg4[%add3A_358, %dma_start3A_364] : memref<32768x512xf32, #tpu.memory_space<hbm>> -> memref<80x512xf32, #tpu.memory_space<hbm>>
    %dma_start3A_366 = arith.constant 0 : i32
    %dma_start3A_367 = arith.constant 0 : i32
    %dma_start3A_368 = tpu.memref_slice %arg6[%dma_start3A_366, %dma_start3A_367] : memref<80x512xf32, #tpu.memory_space<vmem>> -> memref<80x512xf32, #tpu.memory_space<vmem>>
    tpu.enqueue_dma source(%dma_start3A_368 : memref<80x512xf32, #tpu.memory_space<vmem>>) target(%dma_start3A_365 : memref<80x512xf32, #tpu.memory_space<hbm>>) target_semaphore(%arg12 : memref<!tpu.dma_semaphore, #tpu.memory_space<semaphore_mem>>)
    %dma_wait3A_369 = arith.constant 0 : i32
    %dma_wait3A_370 = arith.constant 0 : i32
    %dma_wait3A_371 = tpu.memref_slice %arg8[%dma_wait3A_369, %dma_wait3A_370] : memref<80x512xf32, #tpu.memory_space<vmem>> -> memref<80x512xf32, #tpu.memory_space<vmem>>
    %dma_wait3A_372 = arith.constant 0 : i32
    %dma_wait3A_373 = tpu.memref_slice %arg4[%add3A_320, %dma_wait3A_372] : memref<32768x512xf32, #tpu.memory_space<hbm>> -> memref<80x512xf32, #tpu.memory_space<hbm>>
    %dma_wait3A_374 = arith.constant 0 : i32
    %dma_wait3A_375 = tpu.memref_slice %arg4[%add3A_320, %dma_wait3A_374] : memref<32768x512xf32, #tpu.memory_space<hbm>> -> memref<80x512xf32, #tpu.memory_space<hbm>>
    %dma_wait3A_376 = arith.constant 0 : i32
    %dma_wait3A_377 = arith.constant 0 : i32
    %dma_wait3A_378 = tpu.memref_slice %arg8[%dma_wait3A_376, %dma_wait3A_377] : memref<80x512xf32, #tpu.memory_space<vmem>> -> memref<80x512xf32, #tpu.memory_space<vmem>>
    tpu.wait_dma2 semaphore(%arg14 : memref<!tpu.dma_semaphore, #tpu.memory_space<semaphore_mem>>) src(%dma_wait3A_378 : memref<80x512xf32, #tpu.memory_space<vmem>>) dst(%dma_wait3A_375 : memref<80x512xf32, #tpu.memory_space<hbm>>)
    %dma_start3A_379 = arith.constant 0 : i32
    %dma_start3A_380 = arith.constant 0 : i32
    %dma_start3A_381 = tpu.memref_slice %arg8[%dma_start3A_379, %dma_start3A_380] : memref<80x512xf32, #tpu.memory_space<vmem>> -> memref<80x512xf32, #tpu.memory_space<vmem>>
    %dma_start3A_382 = arith.constant 880 : i32
    %dma_start3A_383 = tpu.memref_slice %arg5[%dma_start3A_382] : memref<1024xi32, #tpu.memory_space<vmem>> -> memref<80xi32, #tpu.memory_space<vmem>>
    %dma_start3A_384 = arith.constant 0 : i32
    %dma_start3A_385 = arith.constant 0 : i32
    %dma_start3A_386 = tpu.memref_slice %arg2[%dma_start3A_384, %dma_start3A_385] : memref<4096x512xf32, #tpu.memory_space<hbm>> -> memref<4096x512xf32, #tpu.memory_space<hbm>>
    tpu.enqueue_indirect_dma source(%dma_start3A_386 : memref<4096x512xf32, #tpu.memory_space<hbm>>) target(%dma_start3A_381 : memref<80x512xf32, #tpu.memory_space<vmem>>) offsets(%dma_start3A_383 : memref<80xi32, #tpu.memory_space<vmem>>) semaphore(%arg11 : memref<!tpu.dma_semaphore, #tpu.memory_space<semaphore_mem>>)
    %dma_wait3A_387 = arith.constant 0 : i32
    %dma_wait3A_388 = arith.constant 0 : i32
    %dma_wait3A_389 = tpu.memref_slice %arg7[%dma_wait3A_387, %dma_wait3A_388] : memref<80x512xf32, #tpu.memory_space<vmem>> -> memref<80x512xf32, #tpu.memory_space<vmem>>
    %dma_wait3A_390 = arith.constant 800 : i32
    %dma_wait3A_391 = tpu.memref_slice %arg5[%dma_wait3A_390] : memref<1024xi32, #tpu.memory_space<vmem>> -> memref<80xi32, #tpu.memory_space<vmem>>
    %dma_wait3A_392 = arith.constant 0 : i32
    %dma_wait3A_393 = arith.constant 0 : i32
    %dma_wait3A_394 = tpu.memref_slice %arg2[%dma_wait3A_392, %dma_wait3A_393] : memref<4096x512xf32, #tpu.memory_space<hbm>> -> memref<4096x512xf32, #tpu.memory_space<hbm>>
    tpu.wait_indirect_dma semaphore(%arg10 : memref<!tpu.dma_semaphore, #tpu.memory_space<semaphore_mem>>) src(%dma_wait3A_394 : memref<4096x512xf32, #tpu.memory_space<hbm>>) dst(%dma_wait3A_389 : memref<80x512xf32, #tpu.memory_space<vmem>>)
    %add3A_395 = arith.constant 800 : i32
    %add3A_396 = arith.addi %mul3A_2, %add3A_395 : i32
    %dma_start3A_397 = arith.constant 0 : i32
    %dma_start3A_398 = arith.constant 0 : i32
    %dma_start3A_399 = tpu.memref_slice %arg7[%dma_start3A_397, %dma_start3A_398] : memref<80x512xf32, #tpu.memory_space<vmem>> -> memref<80x512xf32, #tpu.memory_space<vmem>>
    %dma_start3A_400 = arith.constant 0 : i32
    %dma_start3A_401 = tpu.memref_slice %arg4[%add3A_396, %dma_start3A_400] : memref<32768x512xf32, #tpu.memory_space<hbm>> -> memref<80x512xf32, #tpu.memory_space<hbm>>
    %dma_start3A_402 = arith.constant 0 : i32
    %dma_start3A_403 = tpu.memref_slice %arg4[%add3A_396, %dma_start3A_402] : memref<32768x512xf32, #tpu.memory_space<hbm>> -> memref<80x512xf32, #tpu.memory_space<hbm>>
    %dma_start3A_404 = arith.constant 0 : i32
    %dma_start3A_405 = arith.constant 0 : i32
    %dma_start3A_406 = tpu.memref_slice %arg7[%dma_start3A_404, %dma_start3A_405] : memref<80x512xf32, #tpu.memory_space<vmem>> -> memref<80x512xf32, #tpu.memory_space<vmem>>
    tpu.enqueue_dma source(%dma_start3A_406 : memref<80x512xf32, #tpu.memory_space<vmem>>) target(%dma_start3A_403 : memref<80x512xf32, #tpu.memory_space<hbm>>) target_semaphore(%arg13 : memref<!tpu.dma_semaphore, #tpu.memory_space<semaphore_mem>>)
    %dma_wait3A_407 = arith.constant 0 : i32
    %dma_wait3A_408 = arith.constant 0 : i32
    %dma_wait3A_409 = tpu.memref_slice %arg6[%dma_wait3A_407, %dma_wait3A_408] : memref<80x512xf32, #tpu.memory_space<vmem>> -> memref<80x512xf32, #tpu.memory_space<vmem>>
    %dma_wait3A_410 = arith.constant 0 : i32
    %dma_wait3A_411 = tpu.memref_slice %arg4[%add3A_358, %dma_wait3A_410] : memref<32768x512xf32, #tpu.memory_space<hbm>> -> memref<80x512xf32, #tpu.memory_space<hbm>>
    %dma_wait3A_412 = arith.constant 0 : i32
    %dma_wait3A_413 = tpu.memref_slice %arg4[%add3A_358, %dma_wait3A_412] : memref<32768x512xf32, #tpu.memory_space<hbm>> -> memref<80x512xf32, #tpu.memory_space<hbm>>
    %dma_wait3A_414 = arith.constant 0 : i32
    %dma_wait3A_415 = arith.constant 0 : i32
    %dma_wait3A_416 = tpu.memref_slice %arg6[%dma_wait3A_414, %dma_wait3A_415] : memref<80x512xf32, #tpu.memory_space<vmem>> -> memref<80x512xf32, #tpu.memory_space<vmem>>
    tpu.wait_dma2 semaphore(%arg12 : memref<!tpu.dma_semaphore, #tpu.memory_space<semaphore_mem>>) src(%dma_wait3A_416 : memref<80x512xf32, #tpu.memory_space<vmem>>) dst(%dma_wait3A_413 : memref<80x512xf32, #tpu.memory_space<hbm>>)
    %dma_start3A_417 = arith.constant 0 : i32
    %dma_start3A_418 = arith.constant 0 : i32
    %dma_start3A_419 = tpu.memref_slice %arg6[%dma_start3A_417, %dma_start3A_418] : memref<80x512xf32, #tpu.memory_space<vmem>> -> memref<64x512xf32, #tpu.memory_space<vmem>>
    %dma_start3A_420 = arith.constant 960 : i32
    %dma_start3A_421 = tpu.memref_slice %arg5[%dma_start3A_420] : memref<1024xi32, #tpu.memory_space<vmem>> -> memref<64xi32, #tpu.memory_space<vmem>>
    %dma_start3A_422 = arith.constant 0 : i32
    %dma_start3A_423 = arith.constant 0 : i32
    %dma_start3A_424 = tpu.memref_slice %arg2[%dma_start3A_422, %dma_start3A_423] : memref<4096x512xf32, #tpu.memory_space<hbm>> -> memref<4096x512xf32, #tpu.memory_space<hbm>>
    tpu.enqueue_indirect_dma source(%dma_start3A_424 : memref<4096x512xf32, #tpu.memory_space<hbm>>) target(%dma_start3A_419 : memref<64x512xf32, #tpu.memory_space<vmem>>) offsets(%dma_start3A_421 : memref<64xi32, #tpu.memory_space<vmem>>) semaphore(%arg9 : memref<!tpu.dma_semaphore, #tpu.memory_space<semaphore_mem>>)
    %dma_wait3A_425 = arith.constant 0 : i32
    %dma_wait3A_426 = arith.constant 0 : i32
    %dma_wait3A_427 = tpu.memref_slice %arg8[%dma_wait3A_425, %dma_wait3A_426] : memref<80x512xf32, #tpu.memory_space<vmem>> -> memref<80x512xf32, #tpu.memory_space<vmem>>
    %dma_wait3A_428 = arith.constant 880 : i32
    %dma_wait3A_429 = tpu.memref_slice %arg5[%dma_wait3A_428] : memref<1024xi32, #tpu.memory_space<vmem>> -> memref<80xi32, #tpu.memory_space<vmem>>
    %dma_wait3A_430 = arith.constant 0 : i32
    %dma_wait3A_431 = arith.constant 0 : i32
    %dma_wait3A_432 = tpu.memref_slice %arg2[%dma_wait3A_430, %dma_wait3A_431] : memref<4096x512xf32, #tpu.memory_space<hbm>> -> memref<4096x512xf32, #tpu.memory_space<hbm>>
    tpu.wait_indirect_dma semaphore(%arg11 : memref<!tpu.dma_semaphore, #tpu.memory_space<semaphore_mem>>) src(%dma_wait3A_432 : memref<4096x512xf32, #tpu.memory_space<hbm>>) dst(%dma_wait3A_427 : memref<80x512xf32, #tpu.memory_space<vmem>>)
    %add3A_433 = arith.constant 880 : i32
    %add3A_434 = arith.addi %mul3A_2, %add3A_433 : i32
    %dma_start3A_435 = arith.constant 0 : i32
    %dma_start3A_436 = arith.constant 0 : i32
    %dma_start3A_437 = tpu.memref_slice %arg8[%dma_start3A_435, %dma_start3A_436] : memref<80x512xf32, #tpu.memory_space<vmem>> -> memref<80x512xf32, #tpu.memory_space<vmem>>
    %dma_start3A_438 = arith.constant 0 : i32
    %dma_start3A_439 = tpu.memref_slice %arg4[%add3A_434, %dma_start3A_438] : memref<32768x512xf32, #tpu.memory_space<hbm>> -> memref<80x512xf32, #tpu.memory_space<hbm>>
    %dma_start3A_440 = arith.constant 0 : i32
    %dma_start3A_441 = tpu.memref_slice %arg4[%add3A_434, %dma_start3A_440] : memref<32768x512xf32, #tpu.memory_space<hbm>> -> memref<80x512xf32, #tpu.memory_space<hbm>>
    %dma_start3A_442 = arith.constant 0 : i32
    %dma_start3A_443 = arith.constant 0 : i32
    %dma_start3A_444 = tpu.memref_slice %arg8[%dma_start3A_442, %dma_start3A_443] : memref<80x512xf32, #tpu.memory_space<vmem>> -> memref<80x512xf32, #tpu.memory_space<vmem>>
    tpu.enqueue_dma source(%dma_start3A_444 : memref<80x512xf32, #tpu.memory_space<vmem>>) target(%dma_start3A_441 : memref<80x512xf32, #tpu.memory_space<hbm>>) target_semaphore(%arg14 : memref<!tpu.dma_semaphore, #tpu.memory_space<semaphore_mem>>)
    %dma_wait3A_445 = arith.constant 0 : i32
    %dma_wait3A_446 = arith.constant 0 : i32
    %dma_wait3A_447 = tpu.memref_slice %arg6[%dma_wait3A_445, %dma_wait3A_446] : memref<80x512xf32, #tpu.memory_space<vmem>> -> memref<64x512xf32, #tpu.memory_space<vmem>>
    %dma_wait3A_448 = arith.constant 960 : i32
    %dma_wait3A_449 = tpu.memref_slice %arg5[%dma_wait3A_448] : memref<1024xi32, #tpu.memory_space<vmem>> -> memref<64xi32, #tpu.memory_space<vmem>>
    %dma_wait3A_450 = arith.constant 0 : i32
    %dma_wait3A_451 = arith.constant 0 : i32
    %dma_wait3A_452 = tpu.memref_slice %arg2[%dma_wait3A_450, %dma_wait3A_451] : memref<4096x512xf32, #tpu.memory_space<hbm>> -> memref<4096x512xf32, #tpu.memory_space<hbm>>
    tpu.wait_indirect_dma semaphore(%arg9 : memref<!tpu.dma_semaphore, #tpu.memory_space<semaphore_mem>>) src(%dma_wait3A_452 : memref<4096x512xf32, #tpu.memory_space<hbm>>) dst(%dma_wait3A_447 : memref<64x512xf32, #tpu.memory_space<vmem>>)
    %add3A_453 = arith.constant 960 : i32
    %add3A_454 = arith.addi %mul3A_2, %add3A_453 : i32
    %dma_start3A_455 = arith.constant 0 : i32
    %dma_start3A_456 = arith.constant 0 : i32
    %dma_start3A_457 = tpu.memref_slice %arg6[%dma_start3A_455, %dma_start3A_456] : memref<80x512xf32, #tpu.memory_space<vmem>> -> memref<64x512xf32, #tpu.memory_space<vmem>>
    %dma_start3A_458 = arith.constant 0 : i32
    %dma_start3A_459 = tpu.memref_slice %arg4[%add3A_454, %dma_start3A_458] : memref<32768x512xf32, #tpu.memory_space<hbm>> -> memref<64x512xf32, #tpu.memory_space<hbm>>
    %dma_start3A_460 = arith.constant 0 : i32
    %dma_start3A_461 = tpu.memref_slice %arg4[%add3A_454, %dma_start3A_460] : memref<32768x512xf32, #tpu.memory_space<hbm>> -> memref<64x512xf32, #tpu.memory_space<hbm>>
    %dma_start3A_462 = arith.constant 0 : i32
    %dma_start3A_463 = arith.constant 0 : i32
    %dma_start3A_464 = tpu.memref_slice %arg6[%dma_start3A_462, %dma_start3A_463] : memref<80x512xf32, #tpu.memory_space<vmem>> -> memref<64x512xf32, #tpu.memory_space<vmem>>
    tpu.enqueue_dma source(%dma_start3A_464 : memref<64x512xf32, #tpu.memory_space<vmem>>) target(%dma_start3A_461 : memref<64x512xf32, #tpu.memory_space<hbm>>) target_semaphore(%arg12 : memref<!tpu.dma_semaphore, #tpu.memory_space<semaphore_mem>>)
    %dma_wait3A_465 = arith.constant 0 : i32
    %dma_wait3A_466 = arith.constant 0 : i32
    %dma_wait3A_467 = tpu.memref_slice %arg6[%dma_wait3A_465, %dma_wait3A_466] : memref<80x512xf32, #tpu.memory_space<vmem>> -> memref<64x512xf32, #tpu.memory_space<vmem>>
    %dma_wait3A_468 = arith.constant 0 : i32
    %dma_wait3A_469 = tpu.memref_slice %arg4[%add3A_454, %dma_wait3A_468] : memref<32768x512xf32, #tpu.memory_space<hbm>> -> memref<64x512xf32, #tpu.memory_space<hbm>>
    %dma_wait3A_470 = arith.constant 0 : i32
    %dma_wait3A_471 = tpu.memref_slice %arg4[%add3A_454, %dma_wait3A_470] : memref<32768x512xf32, #tpu.memory_space<hbm>> -> memref<64x512xf32, #tpu.memory_space<hbm>>
    %dma_wait3A_472 = arith.constant 0 : i32
    %dma_wait3A_473 = arith.constant 0 : i32
    %dma_wait3A_474 = tpu.memref_slice %arg6[%dma_wait3A_472, %dma_wait3A_473] : memref<80x512xf32, #tpu.memory_space<vmem>> -> memref<64x512xf32, #tpu.memory_space<vmem>>
    tpu.wait_dma2 semaphore(%arg12 : memref<!tpu.dma_semaphore, #tpu.memory_space<semaphore_mem>>) src(%dma_wait3A_474 : memref<64x512xf32, #tpu.memory_space<vmem>>) dst(%dma_wait3A_471 : memref<64x512xf32, #tpu.memory_space<hbm>>)
    %dma_wait3A_475 = arith.constant 0 : i32
    %dma_wait3A_476 = arith.constant 0 : i32
    %dma_wait3A_477 = tpu.memref_slice %arg7[%dma_wait3A_475, %dma_wait3A_476] : memref<80x512xf32, #tpu.memory_space<vmem>> -> memref<80x512xf32, #tpu.memory_space<vmem>>
    %dma_wait3A_478 = arith.constant 0 : i32
    %dma_wait3A_479 = tpu.memref_slice %arg4[%add3A_396, %dma_wait3A_478] : memref<32768x512xf32, #tpu.memory_space<hbm>> -> memref<80x512xf32, #tpu.memory_space<hbm>>
    %dma_wait3A_480 = arith.constant 0 : i32
    %dma_wait3A_481 = tpu.memref_slice %arg4[%add3A_396, %dma_wait3A_480] : memref<32768x512xf32, #tpu.memory_space<hbm>> -> memref<80x512xf32, #tpu.memory_space<hbm>>
    %dma_wait3A_482 = arith.constant 0 : i32
    %dma_wait3A_483 = arith.constant 0 : i32
    %dma_wait3A_484 = tpu.memref_slice %arg7[%dma_wait3A_482, %dma_wait3A_483] : memref<80x512xf32, #tpu.memory_space<vmem>> -> memref<80x512xf32, #tpu.memory_space<vmem>>
    tpu.wait_dma2 semaphore(%arg13 : memref<!tpu.dma_semaphore, #tpu.memory_space<semaphore_mem>>) src(%dma_wait3A_484 : memref<80x512xf32, #tpu.memory_space<vmem>>) dst(%dma_wait3A_481 : memref<80x512xf32, #tpu.memory_space<hbm>>)
    %dma_wait3A_485 = arith.constant 0 : i32
    %dma_wait3A_486 = arith.constant 0 : i32
    %dma_wait3A_487 = tpu.memref_slice %arg8[%dma_wait3A_485, %dma_wait3A_486] : memref<80x512xf32, #tpu.memory_space<vmem>> -> memref<80x512xf32, #tpu.memory_space<vmem>>
    %dma_wait3A_488 = arith.constant 0 : i32
    %dma_wait3A_489 = tpu.memref_slice %arg4[%add3A_434, %dma_wait3A_488] : memref<32768x512xf32, #tpu.memory_space<hbm>> -> memref<80x512xf32, #tpu.memory_space<hbm>>
    %dma_wait3A_490 = arith.constant 0 : i32
    %dma_wait3A_491 = tpu.memref_slice %arg4[%add3A_434, %dma_wait3A_490] : memref<32768x512xf32, #tpu.memory_space<hbm>> -> memref<80x512xf32, #tpu.memory_space<hbm>>
    %dma_wait3A_492 = arith.constant 0 : i32
    %dma_wait3A_493 = arith.constant 0 : i32
    %dma_wait3A_494 = tpu.memref_slice %arg8[%dma_wait3A_492, %dma_wait3A_493] : memref<80x512xf32, #tpu.memory_space<vmem>> -> memref<80x512xf32, #tpu.memory_space<vmem>>
    tpu.wait_dma2 semaphore(%arg14 : memref<!tpu.dma_semaphore, #tpu.memory_space<semaphore_mem>>) src(%dma_wait3A_494 : memref<80x512xf32, #tpu.memory_space<vmem>>) dst(%dma_wait3A_491 : memref<80x512xf32, #tpu.memory_space<hbm>>)
    return
  }
}

module attributes {stable_mosaic.version = 14 : i64} {
  func.func @_tc_body(%arg0: i32, %arg1: memref<8x512x512xf32, #tpu.memory_space<vmem>>, %arg2: memref<3x512xf32, #tpu.memory_space<vmem>>, %arg3: memref<3x64x512xf32, #tpu.memory_space<vmem>>, %arg4: memref<8x64x512xf32, #tpu.memory_space<vmem>>, %arg5: memref<1x1x4096xi32, #tpu.memory_space<vmem>>, %arg6: memref<3x512xf32, #tpu.memory_space<vmem>>, %arg7: memref<1x1xf32, #tpu.memory_space<smem>>, %arg8: memref<1x1xf32, #tpu.memory_space<smem>>) attributes {dimension_semantics = [#tpu.dimension_semantics<arbitrary>], iteration_bounds = array<i64: 8>, scalar_prefetch = 0 : i64, scratch_operands = 0 : i64, tpu.core_type = #tpu.core_type<tc>, window_params = [{transform_indices = @transform_0, window_bounds = array<i64: 8, 512, 512>}, {pipeline_mode = #tpu.pipeline_mode<synchronous>, transform_indices = @transform_1, window_bounds = array<i64: 3, 512>}, {transform_indices = @transform_2, window_bounds = array<i64: 3, 64, 512>}, {transform_indices = @transform_3, window_bounds = array<i64: 8, 64, 512>}, {transform_indices = @transform_4, window_bounds = array<i64: 1, 1, 4096>}, {pipeline_mode = #tpu.pipeline_mode<synchronous>, transform_indices = @transform_5, window_bounds = array<i64: 3, 512>}, {transform_indices = @transform_6, window_bounds = array<i64: 1, 1>}, {transform_indices = @transform_7, window_bounds = array<i64: 1, 1>}]} {
    %get3A = arith.constant 0 : index
    %get3A_0 = arith.constant 0 : index
    %get3A_1 = arith.constant 0 : index
    %get3A_2 = vector.load %arg1[%get3A, %get3A_0, %get3A_1] : memref<8x512x512xf32, #tpu.memory_space<vmem>>, vector<8x512x512xf32>
    %reshape3A = vector.shape_cast %get3A_2 : vector<8x512x512xf32> to vector<4096x512xf32>
    %get3A_3 = arith.constant 0 : index
    %get3A_4 = arith.constant 0 : index
    %get3A_5 = vector.load %arg2[%get3A_3, %get3A_4] : memref<3x512xf32, #tpu.memory_space<vmem>>, vector<3x512xf32>
    %dot_general3A = arith.constant dense<0.000000e+00> : vector<3x4096xf32>
    %dot_general3A_6 = tpu.matmul %get3A_5, %reshape3A, %dot_general3A {dimension_numbers = #tpu.dot_dimension_numbers<[1], [1], [0], [0], [0, 0, 1, 0], [], []>, transpose_lhs_hint = false} : vector<3x512xf32>, vector<4096x512xf32>, vector<3x4096xf32> -> vector<3x4096xf32>
    %reduce_max3A = arith.constant dense<0xFF800000> : vector<4096xf32>
    %reduce_max3A_7 = vector.multi_reduction <maximumf>, %dot_general3A_6, %reduce_max3A [0] : vector<3x4096xf32> to vector<4096xf32>
    %broadcast_in_dim3A = vector.shape_cast %reduce_max3A_7 : vector<4096xf32> to vector<1x4096xf32>
    %sub3A = vector.broadcast %broadcast_in_dim3A : vector<1x4096xf32> to vector<3x4096xf32>
    %sub3A_8 = arith.subf %dot_general3A_6, %sub3A : vector<3x4096xf32>
    %exp3A = math.exp %sub3A_8 : vector<3x4096xf32>
    %reduce_sum3A = arith.constant dense<0.000000e+00> : vector<4096xf32>
    %reduce_sum3A_9 = vector.multi_reduction <add>, %exp3A, %reduce_sum3A [0] : vector<3x4096xf32> to vector<4096xf32>
    %broadcast_in_dim3A_10 = vector.shape_cast %reduce_sum3A_9 : vector<4096xf32> to vector<1x4096xf32>
    %div3A = vector.broadcast %broadcast_in_dim3A_10 : vector<1x4096xf32> to vector<3x4096xf32>
    %div3A_11 = arith.divf %exp3A, %div3A : vector<3x4096xf32>
    %add3A = arith.constant 1.000000e-10 : f32
    %add3A_12 = vector.broadcast %add3A : f32 to vector<3x4096xf32>
    %add3A_13 = arith.addf %div3A_11, %add3A_12 : vector<3x4096xf32>
    %log3A = math.log %add3A_13 : vector<3x4096xf32>
    %mul3A = arith.mulf %div3A_11, %log3A : vector<3x4096xf32>
    %reduce_sum3A_14 = vector.shape_cast %mul3A : vector<3x4096xf32> to vector<1x3x4096xf32>
    %reduce_sum3A_15 = arith.constant dense<0.000000e+00> : vector<1xf32>
    %reduce_sum3A_16 = vector.multi_reduction <add>, %reduce_sum3A_14, %reduce_sum3A_15 [1, 2] : vector<1x3x4096xf32> to vector<1xf32>
    %reduce_sum3A_17 = vector.shape_cast %reduce_sum3A_16 : vector<1xf32> to vector<1x1x1xf32>
    %reduce_sum3A_18 = vector.extract %reduce_sum3A_17[0, 0, 0] : f32 from vector<1x1x1xf32>
    %neg3A = arith.constant 0.000000e+00 : f32
    %neg3A_19 = arith.subf %neg3A, %reduce_sum3A_18 : f32
    %slice3A = vector.extract_strided_slice %div3A_11 {offsets = [0, 0], sizes = [1, 4096], strides = [1, 1]} : vector<3x4096xf32> to vector<1x4096xf32>
    %slice3A_20 = vector.extract_strided_slice %div3A_11 {offsets = [1, 0], sizes = [1, 4096], strides = [1, 1]} : vector<3x4096xf32> to vector<1x4096xf32>
    %slice3A_21 = vector.extract_strided_slice %div3A_11 {offsets = [2, 0], sizes = [1, 4096], strides = [1, 1]} : vector<3x4096xf32> to vector<1x4096xf32>
    %gt3A = arith.cmpf ogt, %slice3A_20, %slice3A : vector<1x4096xf32>
    %convert_element_type3A = arith.extui %gt3A : vector<1x4096xi1> to vector<1x4096xi32>
    %convert_element_type3A_22 = arith.sitofp %convert_element_type3A : vector<1x4096xi32> to vector<1x4096xf32>
    %mul3A_23 = arith.mulf %slice3A_20, %convert_element_type3A_22 : vector<1x4096xf32>
    %gt3A_24 = arith.cmpf ogt, %slice3A_21, %slice3A : vector<1x4096xf32>
    %convert_element_type3A_25 = arith.extui %gt3A_24 : vector<1x4096xi1> to vector<1x4096xi32>
    %convert_element_type3A_26 = arith.sitofp %convert_element_type3A_25 : vector<1x4096xi32> to vector<1x4096xf32>
    %mul3A_27 = arith.mulf %slice3A_21, %convert_element_type3A_26 : vector<1x4096xf32>
    %add3A_28 = arith.addf %mul3A_23, %mul3A_27 : vector<1x4096xf32>
    %ge3A = arith.cmpf oge, %slice3A, %slice3A_20 : vector<1x4096xf32>
    %convert_element_type3A_29 = arith.extui %ge3A : vector<1x4096xi1> to vector<1x4096xi32>
    %convert_element_type3A_30 = arith.sitofp %convert_element_type3A_29 : vector<1x4096xi32> to vector<1x4096xf32>
    %mul3A_31 = arith.mulf %slice3A, %convert_element_type3A_30 : vector<1x4096xf32>
    %gt3A_32 = arith.cmpf ogt, %slice3A_21, %slice3A_20 : vector<1x4096xf32>
    %convert_element_type3A_33 = arith.extui %gt3A_32 : vector<1x4096xi1> to vector<1x4096xi32>
    %convert_element_type3A_34 = arith.sitofp %convert_element_type3A_33 : vector<1x4096xi32> to vector<1x4096xf32>
    %mul3A_35 = arith.mulf %slice3A_21, %convert_element_type3A_34 : vector<1x4096xf32>
    %add3A_36 = arith.addf %mul3A_31, %mul3A_35 : vector<1x4096xf32>
    %ge3A_37 = arith.cmpf oge, %slice3A, %slice3A_21 : vector<1x4096xf32>
    %convert_element_type3A_38 = arith.extui %ge3A_37 : vector<1x4096xi1> to vector<1x4096xi32>
    %convert_element_type3A_39 = arith.sitofp %convert_element_type3A_38 : vector<1x4096xi32> to vector<1x4096xf32>
    %mul3A_40 = arith.mulf %slice3A, %convert_element_type3A_39 : vector<1x4096xf32>
    %ge3A_41 = arith.cmpf oge, %slice3A_20, %slice3A_21 : vector<1x4096xf32>
    %convert_element_type3A_42 = arith.extui %ge3A_41 : vector<1x4096xi1> to vector<1x4096xi32>
    %convert_element_type3A_43 = arith.sitofp %convert_element_type3A_42 : vector<1x4096xi32> to vector<1x4096xf32>
    %mul3A_44 = arith.mulf %slice3A_20, %convert_element_type3A_43 : vector<1x4096xf32>
    %add3A_45 = arith.addf %mul3A_40, %mul3A_44 : vector<1x4096xf32>
    %le3A = arith.constant 5.000000e-01 : f32
    %le3A_46 = vector.broadcast %le3A : f32 to vector<1x4096xf32>
    %le3A_47 = arith.cmpf ole, %add3A_28, %le3A_46 : vector<1x4096xf32>
    %convert_element_type3A_48 = arith.extui %le3A_47 : vector<1x4096xi1> to vector<1x4096xi32>
    %le3A_49 = arith.constant 5.000000e-01 : f32
    %le3A_50 = vector.broadcast %le3A_49 : f32 to vector<1x4096xf32>
    %le3A_51 = arith.cmpf ole, %add3A_36, %le3A_50 : vector<1x4096xf32>
    %convert_element_type3A_52 = arith.extui %le3A_51 : vector<1x4096xi1> to vector<1x4096xi32>
    %le3A_53 = arith.constant 5.000000e-01 : f32
    %le3A_54 = vector.broadcast %le3A_53 : f32 to vector<1x4096xf32>
    %le3A_55 = arith.cmpf ole, %add3A_45, %le3A_54 : vector<1x4096xf32>
    %convert_element_type3A_56 = arith.extui %le3A_55 : vector<1x4096xi1> to vector<1x4096xi32>
    %mul3A_57 = arith.constant 2 : i32
    %mul3A_58 = vector.broadcast %mul3A_57 : i32 to vector<1x4096xi32>
    %mul3A_59 = arith.muli %mul3A_58, %convert_element_type3A_52 : vector<1x4096xi32>
    %add3A_60 = arith.addi %convert_element_type3A_48, %mul3A_59 : vector<1x4096xi32>
    %mul3A_61 = arith.constant 4 : i32
    %mul3A_62 = vector.broadcast %mul3A_61 : i32 to vector<1x4096xi32>
    %mul3A_63 = arith.muli %mul3A_62, %convert_element_type3A_56 : vector<1x4096xi32>
    %add3A_64 = arith.addi %add3A_60, %mul3A_63 : vector<1x4096xi32>
    %iota3A = tpu.iota {dimensions = array<i32: 1>} : vector<1x4096xi32>
    %mul3A_65 = arith.constant 512 : i32
    %mul3A_66 = vector.broadcast %mul3A_65 : i32 to vector<1x4096xi32>
    %mul3A_67 = arith.muli %add3A_64, %mul3A_66 : vector<1x4096xi32>
    %and3A = arith.constant 511 : i32
    %and3A_68 = vector.broadcast %and3A : i32 to vector<1x4096xi32>
    %and3A_69 = arith.andi %iota3A, %and3A_68 : vector<1x4096xi32>
    %add3A_70 = arith.addi %mul3A_67, %and3A_69 : vector<1x4096xi32>
    %swap3A = arith.constant 0 : index
    %swap3A_71 = arith.constant 0 : index
    %swap3A_72 = arith.constant 0 : index
    %swap3A_73 = vector.load %arg5[%swap3A, %swap3A_71, %swap3A_72] : memref<1x1x4096xi32, #tpu.memory_space<vmem>>, vector<1x1x4096xi32>
    %swap3A_74 = vector.shape_cast %swap3A_73 : vector<1x1x4096xi32> to vector<1x4096xi32>
    %swap3A_75 = vector.shape_cast %add3A_70 : vector<1x4096xi32> to vector<1x1x4096xi32>
    tpu.vector_store %arg5[%swap3A, %swap3A_71, %swap3A_72], %swap3A_75 {strides = array<i32>} : memref<1x1x4096xi32, #tpu.memory_space<vmem>>, vector<1x1x4096xi32>,
    %max3A = arith.maximumf %slice3A, %slice3A_20 : vector<1x4096xf32>
    %max3A_76 = arith.maximumf %max3A, %slice3A_21 : vector<1x4096xf32>
    %min3A = arith.minimumf %slice3A, %slice3A_20 : vector<1x4096xf32>
    %min3A_77 = arith.minimumf %min3A, %slice3A_21 : vector<1x4096xf32>
    %min3A_78 = arith.minimumf %slice3A, %slice3A_20 : vector<1x4096xf32>
    %max3A_79 = arith.maximumf %slice3A, %slice3A_20 : vector<1x4096xf32>
    %min3A_80 = arith.minimumf %max3A_79, %slice3A_21 : vector<1x4096xf32>
    %max3A_81 = arith.maximumf %min3A_78, %min3A_80 : vector<1x4096xf32>
    %le3A_82 = arith.constant 5.000000e-01 : f32
    %le3A_83 = vector.broadcast %le3A_82 : f32 to vector<1x4096xf32>
    %le3A_84 = arith.cmpf ole, %max3A_76, %le3A_83 : vector<1x4096xf32>
    %convert_element_type3A_85 = arith.extui %le3A_84 : vector<1x4096xi1> to vector<1x4096xi32>
    %convert_element_type3A_86 = arith.sitofp %convert_element_type3A_85 : vector<1x4096xi32> to vector<1x4096xf32>
    %add3A_87 = arith.addf %max3A_76, %max3A_81 : vector<1x4096xf32>
    %le3A_88 = arith.constant 5.000000e-01 : f32
    %le3A_89 = vector.broadcast %le3A_88 : f32 to vector<1x4096xf32>
    %le3A_90 = arith.cmpf ole, %add3A_87, %le3A_89 : vector<1x4096xf32>
    %convert_element_type3A_91 = arith.extui %le3A_90 : vector<1x4096xi1> to vector<1x4096xi32>
    %convert_element_type3A_92 = arith.sitofp %convert_element_type3A_91 : vector<1x4096xi32> to vector<1x4096xf32>
    %mul3A_93 = arith.mulf %max3A_81, %convert_element_type3A_86 : vector<1x4096xf32>
    %mul3A_94 = arith.mulf %min3A_77, %convert_element_type3A_92 : vector<1x4096xf32>
    %concatenate3A = tpu.concatenate %max3A_76, %mul3A_93, %mul3A_94 in 0 : vector<1x4096xf32>, vector<1x4096xf32>, vector<1x4096xf32> -> vector<3x4096xf32>
    %slice3A_95 = vector.extract_strided_slice %concatenate3A {offsets = [0, 0], sizes = [3, 512], strides = [1, 1]} : vector<3x4096xf32> to vector<3x512xf32>
    %slice3A_96 = vector.extract_strided_slice %concatenate3A {offsets = [0, 512], sizes = [3, 512], strides = [1, 1]} : vector<3x4096xf32> to vector<3x512xf32>
    %add3A_97 = arith.addf %slice3A_95, %slice3A_96 : vector<3x512xf32>
    %slice3A_98 = vector.extract_strided_slice %concatenate3A {offsets = [0, 1024], sizes = [3, 512], strides = [1, 1]} : vector<3x4096xf32> to vector<3x512xf32>
    %add3A_99 = arith.addf %add3A_97, %slice3A_98 : vector<3x512xf32>
    %slice3A_100 = vector.extract_strided_slice %concatenate3A {offsets = [0, 1536], sizes = [3, 512], strides = [1, 1]} : vector<3x4096xf32> to vector<3x512xf32>
    %add3A_101 = arith.addf %add3A_99, %slice3A_100 : vector<3x512xf32>
    %slice3A_102 = vector.extract_strided_slice %concatenate3A {offsets = [0, 2048], sizes = [3, 512], strides = [1, 1]} : vector<3x4096xf32> to vector<3x512xf32>
    %add3A_103 = arith.addf %add3A_101, %slice3A_102 : vector<3x512xf32>
    %slice3A_104 = vector.extract_strided_slice %concatenate3A {offsets = [0, 2560], sizes = [3, 512], strides = [1, 1]} : vector<3x4096xf32> to vector<3x512xf32>
    %add3A_105 = arith.addf %add3A_103, %slice3A_104 : vector<3x512xf32>
    %slice3A_106 = vector.extract_strided_slice %concatenate3A {offsets = [0, 3072], sizes = [3, 512], strides = [1, 1]} : vector<3x4096xf32> to vector<3x512xf32>
    %add3A_107 = arith.addf %add3A_105, %slice3A_106 : vector<3x512xf32>
    %slice3A_108 = vector.extract_strided_slice %concatenate3A {offsets = [0, 3584], sizes = [3, 512], strides = [1, 1]} : vector<3x4096xf32> to vector<3x512xf32>
    %add3A_109 = arith.addf %add3A_107, %slice3A_108 : vector<3x512xf32>
    %eq3A = arith.constant 0 : i32
    %eq3A_110 = arith.cmpi eq, %arg0, %eq3A : i32
    %convert_element_type3A_111 = arith.extui %eq3A_110 : i1 to i32
    %cond3A = arith.constant 0 : i32
    %cond3A_112 = arith.cmpi ne, %convert_element_type3A_111, %cond3A : i32
    scf.if %cond3A_112 {
      %swap3A_206 = arith.constant 0 : index
      %swap3A_207 = arith.constant 0 : index
      %swap3A_208 = vector.load %arg6[%swap3A_206, %swap3A_207] : memref<3x512xf32, #tpu.memory_space<vmem>>, vector<3x512xf32>
      tpu.vector_store %arg6[%swap3A_206, %swap3A_207], %add3A_109 {strides = array<i32>} : memref<3x512xf32, #tpu.memory_space<vmem>>, vector<3x512xf32>,
      %swap3A_209 = arith.constant 0 : index
      %swap3A_210 = arith.constant 0 : index
      %swap3A_211 = memref.load %arg7[%swap3A_209, %swap3A_210] : memref<1x1xf32, #tpu.memory_space<smem>>
      memref.store %neg3A_19, %arg7[%swap3A_209, %swap3A_210] : memref<1x1xf32, #tpu.memory_space<smem>>
    } else {
    }
    %ne3A = arith.constant 0 : i32
    %ne3A_113 = arith.cmpi ne, %arg0, %ne3A : i32
    %convert_element_type3A_114 = arith.extui %ne3A_113 : i1 to i32
    %cond3A_115 = arith.constant 0 : i32
    %cond3A_116 = arith.cmpi ne, %convert_element_type3A_114, %cond3A_115 : i32
    scf.if %cond3A_116 {
      %get3A_206 = arith.constant 0 : index
      %get3A_207 = arith.constant 0 : index
      %get3A_208 = vector.load %arg6[%get3A_206, %get3A_207] : memref<3x512xf32, #tpu.memory_space<vmem>>, vector<3x512xf32>
      %add3A_209 = arith.addf %get3A_208, %add3A_109 : vector<3x512xf32>
      %swap3A_210 = arith.constant 0 : index
      %swap3A_211 = arith.constant 0 : index
      %swap3A_212 = vector.load %arg6[%swap3A_210, %swap3A_211] : memref<3x512xf32, #tpu.memory_space<vmem>>, vector<3x512xf32>
      tpu.vector_store %arg6[%swap3A_210, %swap3A_211], %add3A_209 {strides = array<i32>} : memref<3x512xf32, #tpu.memory_space<vmem>>, vector<3x512xf32>,
      %get3A_213 = arith.constant 0 : index
      %get3A_214 = arith.constant 0 : index
      %get3A_215 = memref.load %arg7[%get3A_213, %get3A_214] : memref<1x1xf32, #tpu.memory_space<smem>>
      %add3A_216 = arith.addf %get3A_215, %neg3A_19 : f32
      %swap3A_217 = arith.constant 0 : index
      %swap3A_218 = arith.constant 0 : index
      %swap3A_219 = memref.load %arg7[%swap3A_217, %swap3A_218] : memref<1x1xf32, #tpu.memory_space<smem>>
      memref.store %add3A_216, %arg7[%swap3A_217, %swap3A_218] : memref<1x1xf32, #tpu.memory_space<smem>>
    } else {
    }
    %get3A_117 = arith.constant 0 : index
    %get3A_118 = arith.constant 0 : index
    %get3A_119 = arith.constant 0 : index
    %get3A_120 = vector.load %arg3[%get3A_117, %get3A_118, %get3A_119] : memref<3x64x512xf32, #tpu.memory_space<vmem>>, vector<1x64x512xf32>
    %get3A_121 = vector.shape_cast %get3A_120 : vector<1x64x512xf32> to vector<64x512xf32>
    %get3A_122 = arith.constant 1 : index
    %get3A_123 = arith.constant 0 : index
    %get3A_124 = arith.constant 0 : index
    %get3A_125 = vector.load %arg3[%get3A_122, %get3A_123, %get3A_124] : memref<3x64x512xf32, #tpu.memory_space<vmem>>, vector<1x64x512xf32>
    %get3A_126 = vector.shape_cast %get3A_125 : vector<1x64x512xf32> to vector<64x512xf32>
    %get3A_127 = arith.constant 2 : index
    %get3A_128 = arith.constant 0 : index
    %get3A_129 = arith.constant 0 : index
    %get3A_130 = vector.load %arg3[%get3A_127, %get3A_128, %get3A_129] : memref<3x64x512xf32, #tpu.memory_space<vmem>>, vector<1x64x512xf32>
    %get3A_131 = vector.shape_cast %get3A_130 : vector<1x64x512xf32> to vector<64x512xf32>
    %mul3A_132 = arith.constant 64 : i32
    %mul3A_133 = arith.muli %arg0, %mul3A_132 : i32
    %iota3A_134 = tpu.iota {dimensions = array<i32: 0>} : vector<64x512xi32>
    %add3A_135 = vector.broadcast %mul3A_133 : i32 to vector<64x512xi32>
    %add3A_136 = arith.addi %add3A_135, %iota3A_134 : vector<64x512xi32>
    %iota3A_137 = tpu.iota {dimensions = array<i32: 1>} : vector<64x512xi32>
    %eq3A_138 = arith.cmpi eq, %add3A_136, %iota3A_137 : vector<64x512xi32>
    %convert_element_type3A_139 = arith.extui %eq3A_138 : vector<64x512xi1> to vector<64x512xi32>
    %convert_element_type3A_140 = arith.sitofp %convert_element_type3A_139 : vector<64x512xi32> to vector<64x512xf32>
    %swap3A_141 = arith.constant 0 : index
    %swap3A_142 = arith.constant 0 : index
    %swap3A_143 = arith.constant 0 : index
    %swap3A_144 = vector.load %arg4[%swap3A_141, %swap3A_142, %swap3A_143] : memref<8x64x512xf32, #tpu.memory_space<vmem>>, vector<1x64x512xf32>
    %swap3A_145 = vector.shape_cast %swap3A_144 : vector<1x64x512xf32> to vector<64x512xf32>
    %swap3A_146 = vector.shape_cast %convert_element_type3A_140 : vector<64x512xf32> to vector<1x64x512xf32>
    tpu.vector_store %arg4[%swap3A_141, %swap3A_142, %swap3A_143], %swap3A_146 {strides = array<i32>} : memref<8x64x512xf32, #tpu.memory_space<vmem>>, vector<1x64x512xf32>,
    %add3A_147 = arith.addf %get3A_121, %convert_element_type3A_140 : vector<64x512xf32>
    %swap3A_148 = arith.constant 1 : index
    %swap3A_149 = arith.constant 0 : index
    %swap3A_150 = arith.constant 0 : index
    %swap3A_151 = vector.load %arg4[%swap3A_148, %swap3A_149, %swap3A_150] : memref<8x64x512xf32, #tpu.memory_space<vmem>>, vector<1x64x512xf32>
    %swap3A_152 = vector.shape_cast %swap3A_151 : vector<1x64x512xf32> to vector<64x512xf32>
    %swap3A_153 = vector.shape_cast %add3A_147 : vector<64x512xf32> to vector<1x64x512xf32>
    tpu.vector_store %arg4[%swap3A_148, %swap3A_149, %swap3A_150], %swap3A_153 {strides = array<i32>} : memref<8x64x512xf32, #tpu.memory_space<vmem>>, vector<1x64x512xf32>,
    %add3A_154 = arith.addf %get3A_126, %convert_element_type3A_140 : vector<64x512xf32>
    %swap3A_155 = arith.constant 2 : index
    %swap3A_156 = arith.constant 0 : index
    %swap3A_157 = arith.constant 0 : index
    %swap3A_158 = vector.load %arg4[%swap3A_155, %swap3A_156, %swap3A_157] : memref<8x64x512xf32, #tpu.memory_space<vmem>>, vector<1x64x512xf32>
    %swap3A_159 = vector.shape_cast %swap3A_158 : vector<1x64x512xf32> to vector<64x512xf32>
    %swap3A_160 = vector.shape_cast %add3A_154 : vector<64x512xf32> to vector<1x64x512xf32>
    tpu.vector_store %arg4[%swap3A_155, %swap3A_156, %swap3A_157], %swap3A_160 {strides = array<i32>} : memref<8x64x512xf32, #tpu.memory_space<vmem>>, vector<1x64x512xf32>,
    %add3A_161 = arith.addf %get3A_121, %get3A_126 : vector<64x512xf32>
    %add3A_162 = arith.addf %add3A_161, %convert_element_type3A_140 : vector<64x512xf32>
    %swap3A_163 = arith.constant 3 : index
    %swap3A_164 = arith.constant 0 : index
    %swap3A_165 = arith.constant 0 : index
    %swap3A_166 = vector.load %arg4[%swap3A_163, %swap3A_164, %swap3A_165] : memref<8x64x512xf32, #tpu.memory_space<vmem>>, vector<1x64x512xf32>
    %swap3A_167 = vector.shape_cast %swap3A_166 : vector<1x64x512xf32> to vector<64x512xf32>
    %swap3A_168 = vector.shape_cast %add3A_162 : vector<64x512xf32> to vector<1x64x512xf32>
    tpu.vector_store %arg4[%swap3A_163, %swap3A_164, %swap3A_165], %swap3A_168 {strides = array<i32>} : memref<8x64x512xf32, #tpu.memory_space<vmem>>, vector<1x64x512xf32>,
    %add3A_169 = arith.addf %get3A_131, %convert_element_type3A_140 : vector<64x512xf32>
    %swap3A_170 = arith.constant 4 : index
    %swap3A_171 = arith.constant 0 : index
    %swap3A_172 = arith.constant 0 : index
    %swap3A_173 = vector.load %arg4[%swap3A_170, %swap3A_171, %swap3A_172] : memref<8x64x512xf32, #tpu.memory_space<vmem>>, vector<1x64x512xf32>
    %swap3A_174 = vector.shape_cast %swap3A_173 : vector<1x64x512xf32> to vector<64x512xf32>
    %swap3A_175 = vector.shape_cast %add3A_169 : vector<64x512xf32> to vector<1x64x512xf32>
    tpu.vector_store %arg4[%swap3A_170, %swap3A_171, %swap3A_172], %swap3A_175 {strides = array<i32>} : memref<8x64x512xf32, #tpu.memory_space<vmem>>, vector<1x64x512xf32>,
    %add3A_176 = arith.addf %get3A_121, %get3A_131 : vector<64x512xf32>
    %add3A_177 = arith.addf %add3A_176, %convert_element_type3A_140 : vector<64x512xf32>
    %swap3A_178 = arith.constant 5 : index
    %swap3A_179 = arith.constant 0 : index
    %swap3A_180 = arith.constant 0 : index
    %swap3A_181 = vector.load %arg4[%swap3A_178, %swap3A_179, %swap3A_180] : memref<8x64x512xf32, #tpu.memory_space<vmem>>, vector<1x64x512xf32>
    %swap3A_182 = vector.shape_cast %swap3A_181 : vector<1x64x512xf32> to vector<64x512xf32>
    %swap3A_183 = vector.shape_cast %add3A_177 : vector<64x512xf32> to vector<1x64x512xf32>
    tpu.vector_store %arg4[%swap3A_178, %swap3A_179, %swap3A_180], %swap3A_183 {strides = array<i32>} : memref<8x64x512xf32, #tpu.memory_space<vmem>>, vector<1x64x512xf32>,
    %add3A_184 = arith.addf %get3A_126, %get3A_131 : vector<64x512xf32>
    %add3A_185 = arith.addf %add3A_184, %convert_element_type3A_140 : vector<64x512xf32>
    %swap3A_186 = arith.constant 6 : index
    %swap3A_187 = arith.constant 0 : index
    %swap3A_188 = arith.constant 0 : index
    %swap3A_189 = vector.load %arg4[%swap3A_186, %swap3A_187, %swap3A_188] : memref<8x64x512xf32, #tpu.memory_space<vmem>>, vector<1x64x512xf32>
    %swap3A_190 = vector.shape_cast %swap3A_189 : vector<1x64x512xf32> to vector<64x512xf32>
    %swap3A_191 = vector.shape_cast %add3A_185 : vector<64x512xf32> to vector<1x64x512xf32>
    tpu.vector_store %arg4[%swap3A_186, %swap3A_187, %swap3A_188], %swap3A_191 {strides = array<i32>} : memref<8x64x512xf32, #tpu.memory_space<vmem>>, vector<1x64x512xf32>,
    %add3A_192 = arith.addf %get3A_121, %get3A_126 : vector<64x512xf32>
    %add3A_193 = arith.addf %add3A_192, %get3A_131 : vector<64x512xf32>
    %add3A_194 = arith.addf %add3A_193, %convert_element_type3A_140 : vector<64x512xf32>
    %swap3A_195 = arith.constant 7 : index
    %swap3A_196 = arith.constant 0 : index
    %swap3A_197 = arith.constant 0 : index
    %swap3A_198 = vector.load %arg4[%swap3A_195, %swap3A_196, %swap3A_197] : memref<8x64x512xf32, #tpu.memory_space<vmem>>, vector<1x64x512xf32>
    %swap3A_199 = vector.shape_cast %swap3A_198 : vector<1x64x512xf32> to vector<64x512xf32>
    %swap3A_200 = vector.shape_cast %add3A_194 : vector<64x512xf32> to vector<1x64x512xf32>
    tpu.vector_store %arg4[%swap3A_195, %swap3A_196, %swap3A_197], %swap3A_200 {strides = array<i32>} : memref<8x64x512xf32, #tpu.memory_space<vmem>>, vector<1x64x512xf32>,
    %eq3A_201 = arith.constant 7 : i32
    %eq3A_202 = arith.cmpi eq, %arg0, %eq3A_201 : i32
    %convert_element_type3A_203 = arith.extui %eq3A_202 : i1 to i32
    %cond3A_204 = arith.constant 0 : i32
    %cond3A_205 = arith.cmpi ne, %convert_element_type3A_203, %cond3A_204 : i32
    scf.if %cond3A_205 {
      %get3A_206 = arith.constant 0 : index
      %get3A_207 = arith.constant 0 : index
      %get3A_208 = vector.load %arg6[%get3A_206, %get3A_207] : memref<3x512xf32, #tpu.memory_space<vmem>>, vector<3x512xf32>
      %reduce_sum3A_209 = vector.shape_cast %get3A_208 : vector<3x512xf32> to vector<1x3x512xf32>
      %reduce_sum3A_210 = arith.constant dense<0.000000e+00> : vector<1xf32>
      %reduce_sum3A_211 = vector.multi_reduction <add>, %reduce_sum3A_209, %reduce_sum3A_210 [1, 2] : vector<1x3x512xf32> to vector<1xf32>
      %reduce_sum3A_212 = vector.shape_cast %reduce_sum3A_211 : vector<1xf32> to vector<1x1x1xf32>
      %reduce_sum3A_213 = vector.extract %reduce_sum3A_212[0, 0, 0] : f32 from vector<1x1x1xf32>
      %div3A_214 = arith.constant 1.536000e+03 : f32
      %div3A_215 = arith.divf %reduce_sum3A_213, %div3A_214 : f32
      %sub3A_216 = vector.broadcast %div3A_215 : f32 to vector<3x512xf32>
      %sub3A_217 = arith.subf %get3A_208, %sub3A_216 : vector<3x512xf32>
      %integer_pow3A = arith.mulf %sub3A_217, %sub3A_217 : vector<3x512xf32>
      %reduce_sum3A_218 = vector.shape_cast %integer_pow3A : vector<3x512xf32> to vector<1x3x512xf32>
      %reduce_sum3A_219 = arith.constant dense<0.000000e+00> : vector<1xf32>
      %reduce_sum3A_220 = vector.multi_reduction <add>, %reduce_sum3A_218, %reduce_sum3A_219 [1, 2] : vector<1x3x512xf32> to vector<1xf32>
      %reduce_sum3A_221 = vector.shape_cast %reduce_sum3A_220 : vector<1xf32> to vector<1x1x1xf32>
      %reduce_sum3A_222 = vector.extract %reduce_sum3A_221[0, 0, 0] : f32 from vector<1x1x1xf32>
      %div3A_223 = arith.constant 1.535000e+03 : f32
      %div3A_224 = arith.divf %reduce_sum3A_222, %div3A_223 : f32
      %mul3A_225 = arith.mulf %div3A_215, %div3A_215 : f32
      %add3A_226 = arith.constant 1.000000e-10 : f32
      %add3A_227 = arith.addf %mul3A_225, %add3A_226 : f32
      %div3A_228 = arith.divf %div3A_224, %add3A_227 : f32
      %get3A_229 = arith.constant 0 : index
      %get3A_230 = arith.constant 0 : index
      %get3A_231 = memref.load %arg7[%get3A_229, %get3A_230] : memref<1x1xf32, #tpu.memory_space<smem>>
      %div3A_232 = arith.constant 1.920000e+02 : f32
      %div3A_233 = arith.divf %get3A_231, %div3A_232 : f32
      %mul3A_234 = arith.constant 1.000000e-01 : f32
      %mul3A_235 = arith.mulf %mul3A_234, %div3A_233 : f32
      %add3A_236 = arith.addf %div3A_228, %mul3A_235 : f32
      %swap3A_237 = arith.constant 0 : index
      %swap3A_238 = arith.constant 0 : index
      %swap3A_239 = memref.load %arg8[%swap3A_237, %swap3A_238] : memref<1x1xf32, #tpu.memory_space<smem>>
      memref.store %add3A_236, %arg8[%swap3A_237, %swap3A_238] : memref<1x1xf32, #tpu.memory_space<smem>>
    } else {
    }
    return
  }
  func.func @transform_0(%arg0: i32) -> (i32, i32, i32) {
    %c0_i32 = arith.constant 0 : i32
    %c0_i32_0 = arith.constant 0 : i32
    %c0_i32_1 = arith.constant 0 : i32
    return %arg0, %c0_i32, %c0_i32_0 : i32, i32, i32
  }
  func.func @transform_1(%arg0: i32) -> (i32, i32) {
    %c0_i32 = arith.constant 0 : i32
    %c0_i32_0 = arith.constant 0 : i32
    %c0_i32_1 = arith.constant 0 : i32
    return %c0_i32, %c0_i32_0 : i32, i32
  }
  func.func @transform_2(%arg0: i32) -> (i32, i32, i32) {
    %c0_i32 = arith.constant 0 : i32
    %c0_i32_0 = arith.constant 0 : i32
    %c0_i32_1 = arith.constant 0 : i32
    return %c0_i32, %arg0, %c0_i32_0 : i32, i32, i32
  }
  func.func @transform_3(%arg0: i32) -> (i32, i32, i32) {
    %c0_i32 = arith.constant 0 : i32
    %c0_i32_0 = arith.constant 0 : i32
    %c0_i32_1 = arith.constant 0 : i32
    return %c0_i32, %arg0, %c0_i32_0 : i32, i32, i32
  }
  func.func @transform_4(%arg0: i32) -> (i32, i32, i32) {
    %c0_i32 = arith.constant 0 : i32
    %c0_i32_0 = arith.constant 0 : i32
    %c0_i32_1 = arith.constant 0 : i32
    return %arg0, %c0_i32, %c0_i32_0 : i32, i32, i32
  }
  func.func @transform_5(%arg0: i32) -> (i32, i32) {
    %c0_i32 = arith.constant 0 : i32
    %c0_i32_0 = arith.constant 0 : i32
    %c0_i32_1 = arith.constant 0 : i32
    return %c0_i32, %c0_i32_0 : i32, i32
  }
  func.func @transform_6(%arg0: i32) -> (i32, i32) {
    %c0_i32 = arith.constant 0 : i32
    %c0_i32_0 = arith.constant 0 : i32
    %c0_i32_1 = arith.constant 0 : i32
    return %c0_i32, %c0_i32_0 : i32, i32
  }
  func.func @transform_7(%arg0: i32) -> (i32, i32) {
    %c0_i32 = arith.constant 0 : i32
    %c0_i32_0 = arith.constant 0 : i32
    %c0_i32_1 = arith.constant 0 : i32
    return %c0_i32, %c0_i32_0 : i32, i32
  }
}

</mosaic_0001>

<sc_bundles>
// kernel: kernel.4.cloned.1.call-start
scs
__scs_entry_jumppad:
0x0: {  	(pc) =	sbr.rel $0x88, $3  }
0x1: {  	(tag) =	ssettag $0x0;
	lr =	simm.s32 $0x1  }
0x2: {  	[smem:$0x3F9E] =	sst lr;
	_ =	strace $0xD0000000  }
0x3: {  	_ = 	snop  }
0x4: {  	_ = 	snop  }
0x5: {  	_ = 	snop  }
0x6: {  	_ = 	snop  }
0x7: {  	_ = 	snop  }
__scs_overlays_trampoline_lowered:
0x8: {  	[smem:$0x3FAD] =	sst s0  }
0x9: {  	[smem:$0x3FAE] =	sst s1  }
0xa: {  	[smem:$0x3FAF] =	sst s2  }
0xb: {  	[smem:$0x3FB0] =	sst s3  }
0xc: {  	[smem:$0x3FB1] =	sst s4  }
0xd: {  	[smem:$0x3FB2] =	sst s5  }
0xe: {  	[smem:$0x3FB3] =	sst s6  }
0xf: {  	[smem:$0x3FB4] =	sst s7  }
0x10: {  	[smem:$0x3FB5] =	sst s8  }
0x11: {  	[smem:$0x3FB6] =	sst s9;
	s0 =	simm.s32 @!p0 $0x0  }
0x12: {  	s1 =	sld [smem:$0x3F9C];
	s0 =	simm.s32 @p0 $0x1  }
0x13: {  	[smem:$0x3FB7] =	sst s0;
	s0 =	simm.s32 @!p1 $0x0  }
0x14: {  	s2 =	sld [smem:$0x3F9B];
	s0 =	simm.s32 @p1 $0x1  }
0x15: {  	[smem:$0x3FB8] =	sst s0;
	s0 =	simm.s32 @!p2 $0x0  }
0x16: {  	s3 =	sld [smem:$0x3FDB];
	s0 =	simm.s32 @p2 $0x1  }
0x17: {  	s4 =	simm.s32 $0x1BF5;
	[smem:$0x3FBA] =	sst s0  }
0x18: {  	s0 =	sld [smem:$0x3F9D];
	_ =	swait.ge [sflag:s4], $0x0  }
0x19: {  	s7 =	sld [smem:$0x3F9E]  }
0x1a: {  	s8 =	sadd.s32 $0xFFFFE003, lr  }
0x1b: {  	s9 =	sadd.s32 $0xFFFFFEF7, lr;
	s5 =	simm.s32 $0xFFFFFFFF;
	p2 =	slt.u32 s8, $0xFFFFF086  }
0x1c: {  	p1 =	slt.u32 s9, $0xF7A;
	s5 =	simm.s32 @!p2 $0x0  }
0x1d: {  	s5 =	simm.s32 @p1 $0x1;
	p0 =	seq.s32 s7, s2  }
0x1e: {  	s7 =	smul.u32 @!p0 $0xF7A, s2;
	p2 =	seq.s32 @!p0 s5, $0x0  }
0x1f: {  	s9 =	smul.u32 $0xF7A, s1;
	s8 =	simm.s32 @!p0 $0x1BF5;
	p2 =	por !p2, p0  }
0x20: {  	[sflag:s8] =	ssyncset.s32 @!p0 $0xFFFFF086;
	s6 =	sadd.s32 @!p0 s3, s7;
	s7 =	simm.s32 @!p0 $0x108  }
0x21: {  	s3 =	sadd.s32 s3, s9;
	s6 =	sadd.s32 @!p0 $0x88, s6;
	s7 =	simm.s32 @p2 $0x1082  }
0x22: {  	[simem:s7], [sflag:s8] =	dma.local @!p0 [hbm:s6], $0xF7A  }
0x23: {  	s9 =	sor.u32 $0xD0000000, s2;
	s6 =	simm.s32 $0x108;
	_ =	swait.ge @!p0 [sflag:s8], $0x0  }
0x24: {  	s3 =	sadd.s32 $0x88, s3;
	s6 =	simm.s32 @!p1 $0x1082;
	[sflag:s4] =	ssyncset.s32 $0xFFFFF086  }
0x25: {  	[simem:s6], [sflag:s4] =	dma.local [hbm:s3], $0xF7A  }
0x26: {  	[smem:$0x3F9E] =	sst s1;
	(tag) =	ssettag s2;
	_ =	strace s9  }
0x27: {  	s1 =	sld [smem:$0x3FAE]  }
0x28: {  	s2 =	sld [smem:$0x3FAF]  }
0x29: {  	s4 =	sld [smem:$0x3FB1]  }
0x2a: {  	p0 =	seq.s32 s5, $0x0;
	s5 =	sld [smem:$0x3FB2]  }
0x2b: {  	s6 =	sld [smem:$0x3FB3]  }
0x2c: {  	s7 =	sld [smem:$0x3FB4]  }
0x2d: {  	s3 =	simm.s32 $0x108;
	s8 =	sld [smem:$0x3FB5]  }
0x2e: {  	s3 =	simm.s32 @!p0 $0x1082;
	s9 =	sld [smem:$0x3FB6]  }
0x2f: {  	lr =	sadd.s32 s0, s3;
	s0 =	sld [smem:$0x3FAD]  }
0x30: {  	s3 =	sld [smem:$0x3FB0]  }
0x31: {  	[smem:$0x3FB9] =	sst s10  }
0x32: {  	s10 =	sld [smem:$0x3FB7];
	_ =	sdelay $0x3  }
0x33: {  	p0 =	seq.s32 s10, $0x1;
	s10 =	sld [smem:$0x3FB9];
	_ =	sdelay $0x3  }
0x34: {  	[smem:$0x3FB9] =	sst s10  }
0x35: {  	s10 =	sld [smem:$0x3FB8];
	_ =	sdelay $0x3  }
0x36: {  	p1 =	seq.s32 s10, $0x1;
	s10 =	sld [smem:$0x3FB9];
	_ =	sdelay $0x3  }
0x37: {  	[smem:$0x3FB9] =	sst s10  }
0x38: {  	s10 =	sld [smem:$0x3FBA]  }
0x39: {  	_ = 	snop;
	(pc) =	sbr.ind lr, $3  }
0x3a: {  	_ = 	snop  }
0x3b: {  	_ = 	snop  }
0x3c: {  	p2 =	seq.s32 s10, $0x1;
	s10 =	sld [smem:$0x3FB9]  }
0x3d: {  	_ =	shalt  }
0x3e: {  	_ =	shalt  }
0x3f: {  	_ =	shalt  }
0x40: {  	_ =	shalt  }
0x41: {  	_ =	shalt  }
0x42: {  	_ =	shalt  }
0x43: {  	_ =	shalt  }
0x44: {  	_ =	shalt  }
0x45: {  	_ =	shalt  }
0x46: {  	_ =	shalt  }
0x47: {  	_ =	shalt  }
0x48: {  	_ =	shalt  }
0x49: {  	_ =	shalt  }
0x4a: {  	_ =	shalt  }
0x4b: {  	_ =	shalt  }
0x4c: {  	_ =	shalt  }
0x4d: {  	_ =	shalt  }
0x4e: {  	_ =	shalt  }
0x4f: {  	_ =	shalt  }
0x50: {  	_ =	shalt  }
0x51: {  	_ =	shalt  }
0x52: {  	_ =	shalt  }
0x53: {  	_ =	shalt  }
0x54: {  	_ =	shalt  }
0x55: {  	_ =	shalt  }
0x56: {  	_ =	shalt  }
0x57: {  	_ =	shalt  }
0x58: {  	_ =	shalt  }
0x59: {  	_ =	shalt  }
0x5a: {  	_ =	shalt  }
0x5b: {  	_ =	shalt  }
0x5c: {  	_ =	shalt  }
0x5d: {  	_ =	shalt  }
0x5e: {  	_ =	shalt  }
0x5f: {  	_ =	shalt  }
0x60: {  	_ =	shalt  }
0x61: {  	_ =	shalt  }
0x62: {  	_ =	shalt  }
0x63: {  	_ =	shalt  }
0x64: {  	_ =	shalt  }
0x65: {  	_ =	shalt  }
0x66: {  	_ =	shalt  }
0x67: {  	_ =	shalt  }
0x68: {  	_ =	shalt  }
0x69: {  	_ =	shalt  }
0x6a: {  	_ =	shalt  }
0x6b: {  	_ =	shalt  }
0x6c: {  	_ =	shalt  }
0x6d: {  	_ =	shalt  }
0x6e: {  	_ =	shalt  }
0x6f: {  	_ =	shalt  }
0x70: {  	_ =	shalt  }
0x71: {  	_ =	shalt  }
0x72: {  	_ =	shalt  }
0x73: {  	_ =	shalt  }
0x74: {  	_ =	shalt  }
0x75: {  	_ =	shalt  }
0x76: {  	_ =	shalt  }
0x77: {  	_ =	shalt  }
0x78: {  	_ =	shalt  }
0x79: {  	_ =	shalt  }
0x7a: {  	_ =	shalt  }
0x7b: {  	_ =	shalt  }
0x7c: {  	_ =	shalt  }
0x7d: {  	_ =	shalt  }
0x7e: {  	_ =	shalt  }
0x7f: {  	_ =	shalt  }
0x80: {  	_ =	shalt  }
0x81: {  	_ =	shalt  }
0x82: {  	_ =	shalt  }
0x83: {  	_ =	shalt  }
0x84: {  	_ =	shalt  }
0x85: {  	_ =	shalt  }
0x86: {  	_ =	shalt  }
0x87: {  	_ =	shalt  }
.Lfunc_end0:
.L_simem_size_0:
called_computation_lowered:
.L_overlay_start_0:
0x88: {  	s2 =	sld [smem:$0x3FD9]  }
0x89: {  	s3 =	sld [smem:$0x3FFE];
	_ =	sdelay $0x1  }
0x8a: {  	s1 =	srdreg.scid  }
0x8b: {  	s0 =	sand.u32 $0x1, s1  }
0x8c: {  	s14 =	sshll.u32 s0, $0xA;
	s2 =	sadd.s32 s3, s2  }
0x8d: {  	s2 =	sadd.s32 s2, s14  }
0x8e: {  	[smem:$0x3FC5] =	sst s2  }
0x8f: {  	_ = 	snop  }
0x90: {  	s2 =	sld [smem:$0x3FD0];
	_ =	sdelay $0x2  }
0x91: {  	s15 =	simm.s32 $0xA;
	s4 =	simm.s32 $0x10  }
0x92: {  	[smem:s4], [sflag:s15] =	dma.local [hbm:s2], $0x1  }
0x93: {  	_ =	swait.eq [sflag:s15], $0x1  }
0x94: {  	[sflag:s15] =	ssyncset.done $0x0  }
0x95: {  	[sflag:s15] =	ssyncadd.s32 $0xFFFFFFFF  }
0x96: {  	s16 =	sld [smem:$0x10];
	(tm) =	ssettm $0x1  }
0x97: {  	s17 =	sld [smem:$0x3FFB];
	_ =	sdelay $0x3  }
0x98: {  	_ =	strace s17  }
0x99: {  	s3 =	sld [smem:$0x3FFC];
	_ =	sdelay $0x3  }
0x9a: {  	_ =	strace s3  }
0x9b: {  	s3 =	sld [smem:$0x3FFD];
	_ =	sdelay $0x3  }
0x9c: {  	_ =	strace s3  }
0x9d: {  	_ =	strace $0x8FFFFFFF  }
0x9e: {  	s18 =	sld [smem:$0x3FDB];
	_ =	sdelay $0x1  }
0x9f: {  	s19 =	simm.s32 $_scs_section_size  }
0xa0: {  	s5 =	simm.s32 $_size__tile_overlayer_lowered;
	s6 =	simm.s32 $_tile_overlayer_lowered  }
0xa1: {  	s22 =	simm.s32 $0x1BFF;
	s21 =	sshll.u32 s6, $0x1;
	s3 =	sadd.s32 s19, s18  }
0xa2: {  	s7 =	simm.s32 $0x0;
	s20 =	sshll.u32 s5, $0x1;
	s5 =	sadd.s32 s21, s3  }
0xa3: {  	[timem:s7], [sflag:s22] =	dma.local [hbm:s5], s20  }
0xa4: {  	_ =	swait.ge [sflag:s22], s20  }
0xa5: {  	s4 =	ssub.s32 $0x0, s20;
	[sflag:s22] =	ssyncset.done $0x0  }
0xa6: {  	[sflag:s22] =	ssyncadd.s32 s4;
	_ =	sdelay $0x1  }
0xa7: {  	s23 =	simm.s32 $0x1B8B  }
0xa8: {  	_ =	swait.ge [sflag:s23], $0x1  }
0xa9: {  	[sflag:s23] =	ssyncset.done $0x0  }
0xaa: {  	s25 =	simm.s32 $0x1B8E;
	s24 =	sld [smem:$0x3FFE];
	[sflag:s23] =	ssyncadd.s32 $0xFFFFFFFF  }
0xab: {  	s26 =	simm.s32 $execute0_lowered;
	[smem:$0x3FD2] =	sst s25  }
0xac: {  	s5 =	sshll.u32 s26, $0x1;
	_ =	strace $0x80000046;
	[dreg:$0x1] =	wrdreg $0xFFFFFFFF  }
0xad: {  	s28 =	simm.s32 $_size_execute0_lowered;
	s3 =	sadd.s32 s3, s5;
	[dreg:$0x0] =	wrdreg $0x0  }
0xae: {  	s5 =	sshll.u32 s28, $0x1;
	[dreg:$0x2] =	wrdreg s3  }
0xaf: {  	[dreg:$0x3] =	wrdreg s5  }
0xb0: {  	[dreg:$0x4] =	wrdreg $0xC0  }
0xb1: {  	_ =	task [dreg:s7], $0x5FFFF  }
0xb2: {  	[dreg:$0x1] =	wrdreg $0xFFFFFFFF  }
0xb3: {  	[dreg:$0x0] =	wrdreg $0x60  }
0xb4: {  	[dreg:$0x2] =	wrdreg s24  }
0xb5: {  	[dreg:$0x3] =	wrdreg s16  }
0xb6: {  	[dreg:$0x4] =	wrdreg $0x9  }
0xb7: {  	_ =	task.clear_ibuf [dreg:s7], $0x5FFFF;
	_ =	strace $0x90000046  }
0xb8: {  	s29 =	simm.s32 $0x9;
	_ =	strace $0x80000048  }
0xb9: {  	_ =	swait.ge [sflag:s29], $0x1  }
0xba: {  	[sflag:s29] =	ssyncadd.s32 $0xFFFFFFFF  }
0xbb: {  	_ =	strace $0x90000048  }
0xbc: {  	_ =	sfence  }
0xbd: {  	s30 =	sld [smem:$0x0];
	_ =	sdelay $0x2  }
0xbe: {  	s31 =	sshll.u32 s1, $0xD;
	s1 =	sshrl.u32 s1, $0x2  }
0xbf: {  	s3 =	sand.u32 $0x4000, s31;
	s1 =	sadd.s32 s1, s30  }
0xc0: {  	s0 =	sor.u32 s3, s0;
	s1 =	sshll.u32 s1, $0x11  }
0xc1: {  	s0 =	sor.u32 s1, s0  }
0xc2: {  	s0 =	sadd.s32 $0x8F2B, s0  }
0xc3: {  	[sflag:s0] =	ssyncadd.remote.s32 $0x1  }
0xc4: {  	_ =	sfence.sel $0xFFFF  }
0xc5: {  	[dreg:$0x0] =	wrdreg $0xFFFFFFFF;
	(pc) =	sbr.abs _section_cstart, $3  }
0xc6: {  	[dreg:$0x1] =	wrdreg $0xFFFFFFFF  }
0xc7: {  	_ =	task.clear_ibuf [dreg:s7], $0x2FFFF;
	_ =	strace $0x9FFFFFFF  }
0xc8: {  	(tm) =	ssettm $0x7FFFFFFF  }
0xc9: {  	_ =	shalt  }
tec
execute0_lowered:
.L_overlay_start_1:
0x0: {  	(tag) =	ssettag $0x1  }
0x1: {  	s0 =	srdreg.scid  }
0x2: {  	s2 =	stileid.u32;
	s0 =	sand.u32 $0x1, s0  }
0x3: {  	s1 =	rddreg [dreg:$0x0];
	s2 =	sshll.u32 s2, $0xB;
	s3 =	sshll.u32 s0, $0xA  }
0x4: {  	s4 =	rddreg [dreg:$0x1];
	s3 =	sor.u32 s3, s2  }
0x5: {  	s2 =	simm.s32 $0x0;
	s5 =	sshrl.u32 s3, $0x3;
	s3 =	sshll.u32 s3, $0x6  }
0x6: {  	[smem:$0x7FF] =	sst s2;
	s5 =	sadd.s32 s5, s1;
	s6 =	sadd.s32 s4, s3  }
0x7: {  	_ =	strace $0x80000047;
	s5 =	sadd.s32 $0x40E00, s5;
	[dreg:$0x10] =	wrdreg s6  }
0x8: {  	s3 =	sadd.s32 $0x1400, s6;
	[dreg:$0x3] =	wrdreg s5  }
0x9: {  	s18 =	sadd.s32 $0x2800, s6;
	[dreg:$0x4] =	wrdreg s3  }
0xa: {  	s28 =	simm.s32 $0x1;
	s19 =	sadd.s32 $0x3C00, s6;
	[dreg:$0x5] =	wrdreg s18  }
0xb: {  	s15 =	simm.s32 $0x2;
	s20 =	sadd.s32 $0x5000, s6;
	[dreg:$0x6] =	wrdreg s19  }
0xc: {  	s7 =	simm.s32 $0x4;
	s21 =	sadd.s32 $0x6400, s6;
	[dreg:$0x7] =	wrdreg s20  }
0xd: {  	s0 =	ssub.s32 $0x2, s0;
	s22 =	sadd.s32 $0x7800, s6;
	[dreg:$0x8] =	wrdreg s21  }
0xe: {  	s26 =	sshrl.u32 s0, $0x1;
	s23 =	sadd.s32 $0x8C00, s6;
	[dreg:$0x9] =	wrdreg s22  }
0xf: {  	s0 =	ssub.s32 s0, s26;
	s24 =	sadd.s32 $0xA000, s6;
	[dreg:$0xa] =	wrdreg s23  }
0x10: {  	s26 =	simm.s32 $0x6;
	s25 =	sadd.s32 $0xB400, s6;
	[dreg:$0xb] =	wrdreg s24  }
0x11: {  	s4 =	sadd.s32 $0xE00, s1;
	s29 =	sadd.s32 $0xC800, s6;
	[dreg:$0xc] =	wrdreg s25  }
0x12: {  	v2 =	vlaneseq.u32;
	s30 =	sadd.s32 $0xDC00, s6;
	s31 =	sadd.s32 $0xF000, s6;
	[dreg:$0xd] =	wrdreg s29  }
0x13: {  	vm0 =	vmmov $0xffff;
	v1 =	vshrl.u32 v2, $0x3;
	s6 =	smax.u32 s0, $0x1;
	s5 =	sadd.s32 $0xF00, s1;
	[dreg:$0xe] =	wrdreg s30  }
0x14: {  	v0 =	vand.u32 $0x7, v2;
	v2 =	vor.u32 $0x8, v2;
	v1 =	vmul.u32 $0x8, v1;
	[dreg:$0xf] =	wrdreg s31;
	s24 =	simm.s32 $0x3;
	s25 =	simm.s32 $0x5  }
.LBB2_1:
0x15: {  	s31 =	rddreg [dreg:$0x3];
	s3 =	simm.s32 $0x7  }
0x16: {  	[tilespmem:s2], [sflag:$0x7] =	stream.linear.gather [hbm4b:s31+s2], $0x400, $0x38;
	[tilespmem:$0x1E400] =	vst v63  }
0x17: {  	_ =	swait.ge [sflag:s3], $0x400  }
0x18: {  	[sflag:s3] =	ssyncset.done $0x0  }
0x19: {  	[sflag:s3] =	ssyncadd.s32 $0xFFFFFC00  }
0x1a: {  	v3 =	vld [tilespmem:$0x0];
	_ =	sdelay $0x4  }
0x1b: {  	v4 =	vshll.u32 v3, $0x2  }
0x1c: {  	v3 =	vand.u32 $0x7, v3;
	v4 =	vand.u32 $0xFFFFFFE0, v4  }
0x1d: {  	v3 =	vor.u32 v3, v4  }
0x1e: {  	v4 =	vperm.xlane v3, v0;
	_ =	sdelay $0x1  }
0x1f: {  	v4 =	vadd.s32 v1, v4;
	_ =	sdelay $0x1  }
0x20: {  	v3 =	vperm.xlane v3, v2;
	_ =	sdelay $0x1  }
0x21: {  	s0 =	simm.s32 $0x400;
	v3 =	vadd.s32 v1, v3  }
0x22: {  	[tilespmem:s0], [sflag:$0x1] =	stream.indirect_vreg.gather [hbm4b:s4+s2], $0x80, v4, vm0, $0xb8;
	[tilespmem:$0x1E400] =	vst v63  }
0x23: {  	s8 =	simm.s32 $0xC00  }
0x24: {  	[tilespmem:s8], [sflag:$0x1] =	stream.indirect_vreg.gather [hbm4b:s5+s2], $0x80, v4, vm0, $0xb8;
	[tilespmem:$0x1E400] =	vst v63  }
0x25: {  	s9 =	simm.s32 $0x1400  }
0x26: {  	[tilespmem:s9], [sflag:$0x1] =	stream.indirect_vreg.gather [hbm4b:s4+s2], $0x80, v3, vm0, $0xb8;
	[tilespmem:$0x1E400] =	vst v63  }
0x27: {  	s10 =	simm.s32 $0x1C00  }
0x28: {  	[tilespmem:s10], [sflag:$0x1] =	stream.indirect_vreg.gather [hbm4b:s5+s2], $0x80, v3, vm0, $0xb8;
	[tilespmem:$0x1E400] =	vst v63  }
0x29: {  	v3 =	vld [tilespmem:$0x10];
	_ =	sdelay $0x4  }
0x2a: {  	v57 =	vshll.u32 v3, $0x2  }
0x2b: {  	v3 =	vand.u32 $0x7, v3;
	v4 =	vand.u32 $0xFFFFFFE0, v57  }
0x2c: {  	v3 =	vor.u32 v3, v4  }
0x2d: {  	v4 =	vperm.xlane v3, v0;
	_ =	sdelay $0x1  }
0x2e: {  	v4 =	vadd.s32 v1, v4;
	_ =	sdelay $0x1  }
0x2f: {  	v3 =	vperm.xlane v3, v2;
	_ =	sdelay $0x1  }
0x30: {  	s11 =	simm.s32 $0x2400;
	v3 =	vadd.s32 v1, v3  }
0x31: {  	[tilespmem:s11], [sflag:$0x1] =	stream.indirect_vreg.gather [hbm4b:s4+s2], $0x80, v4, vm0, $0xb8;
	[tilespmem:$0x1E400] =	vst v63  }
0x32: {  	s12 =	simm.s32 $0x2C00  }
0x33: {  	[tilespmem:s12], [sflag:$0x1] =	stream.indirect_vreg.gather [hbm4b:s5+s2], $0x80, v4, vm0, $0xb8;
	[tilespmem:$0x1E400] =	vst v63  }
0x34: {  	s14 =	simm.s32 $0x3400  }
0x35: {  	[tilespmem:s14], [sflag:$0x1] =	stream.indirect_vreg.gather [hbm4b:s4+s2], $0x80, v3, vm0, $0xb8;
	[tilespmem:$0x1E400] =	vst v63  }
0x36: {  	s16 =	simm.s32 $0x3C00  }
0x37: {  	[tilespmem:s16], [sflag:$0x1] =	stream.indirect_vreg.gather [hbm4b:s5+s2], $0x80, v3, vm0, $0xb8;
	[tilespmem:$0x1E400] =	vst v63  }
0x38: {  	v3 =	vld [tilespmem:$0x20];
	_ =	sdelay $0x4  }
0x39: {  	v58 =	vshll.u32 v3, $0x2  }
0x3a: {  	v3 =	vand.u32 $0x7, v3;
	v4 =	vand.u32 $0xFFFFFFE0, v58  }
0x3b: {  	v3 =	vor.u32 v3, v4  }
0x3c: {  	v4 =	vperm.xlane v3, v0;
	_ =	sdelay $0x1  }
0x3d: {  	v4 =	vadd.s32 v1, v4;
	_ =	sdelay $0x1  }
0x3e: {  	v3 =	vperm.xlane v3, v2;
	_ =	sdelay $0x1  }
0x3f: {  	s17 =	simm.s32 $0x4400;
	v3 =	vadd.s32 v1, v3  }
0x40: {  	[tilespmem:s17], [sflag:$0x1] =	stream.indirect_vreg.gather [hbm4b:s4+s2], $0x80, v4, vm0, $0xb8;
	[tilespmem:$0x1E400] =	vst v63  }
0x41: {  	s18 =	simm.s32 $0x4C00  }
0x42: {  	[tilespmem:s18], [sflag:$0x1] =	stream.indirect_vreg.gather [hbm4b:s5+s2], $0x80, v4, vm0, $0xb8;
	[tilespmem:$0x1E400] =	vst v63  }
0x43: {  	s19 =	simm.s32 $0x5400  }
0x44: {  	[tilespmem:s19], [sflag:$0x1] =	stream.indirect_vreg.gather [hbm4b:s4+s2], $0x80, v3, vm0, $0xb8;
	[tilespmem:$0x1E400] =	vst v63  }
0x45: {  	s20 =	simm.s32 $0x5C00  }
0x46: {  	[tilespmem:s20], [sflag:$0x1] =	stream.indirect_vreg.gather [hbm4b:s5+s2], $0x80, v3, vm0, $0xb8;
	[tilespmem:$0x1E400] =	vst v63  }
0x47: {  	v3 =	vld [tilespmem:$0x30];
	_ =	sdelay $0x4  }
0x48: {  	v59 =	vshll.u32 v3, $0x2  }
0x49: {  	v3 =	vand.u32 $0x7, v3;
	v4 =	vand.u32 $0xFFFFFFE0, v59  }
0x4a: {  	v3 =	vor.u32 v3, v4  }
0x4b: {  	v4 =	vperm.xlane v3, v0;
	_ =	sdelay $0x1  }
0x4c: {  	v4 =	vadd.s32 v1, v4;
	_ =	sdelay $0x1  }
0x4d: {  	v3 =	vperm.xlane v3, v2;
	_ =	sdelay $0x1  }
0x4e: {  	s21 =	simm.s32 $0x6400;
	v3 =	vadd.s32 v1, v3  }
0x4f: {  	[tilespmem:s21], [sflag:$0x1] =	stream.indirect_vreg.gather [hbm4b:s4+s2], $0x80, v4, vm0, $0xb8;
	[tilespmem:$0x1E400] =	vst v63  }
0x50: {  	s22 =	simm.s32 $0x6C00  }
0x51: {  	[tilespmem:s22], [sflag:$0x1] =	stream.indirect_vreg.gather [hbm4b:s5+s2], $0x80, v4, vm0, $0xb8;
	[tilespmem:$0x1E400] =	vst v63  }
0x52: {  	s23 =	simm.s32 $0x7400  }
0x53: {  	[tilespmem:s23], [sflag:$0x1] =	stream.indirect_vreg.gather [hbm4b:s4+s2], $0x80, v3, vm0, $0xb8;
	[tilespmem:$0x1E400] =	vst v63  }
0x54: {  	s29 =	simm.s32 $0x7C00  }
0x55: {  	[tilespmem:s29], [sflag:$0x1] =	stream.indirect_vreg.gather [hbm4b:s5+s2], $0x80, v3, vm0, $0xb8;
	[tilespmem:$0x1E400] =	vst v63  }
0x56: {  	v3 =	vld [tilespmem:$0x40];
	_ =	sdelay $0x4  }
0x57: {  	v60 =	vshll.u32 v3, $0x2  }
0x58: {  	v3 =	vand.u32 $0x7, v3;
	v4 =	vand.u32 $0xFFFFFFE0, v60  }
0x59: {  	v3 =	vor.u32 v3, v4  }
0x5a: {  	v4 =	vperm.xlane v3, v0;
	_ =	sdelay $0x1  }
0x5b: {  	v4 =	vadd.s32 v1, v4;
	_ =	sdelay $0x1  }
0x5c: {  	v3 =	vperm.xlane v3, v2;
	_ =	sdelay $0x1  }
0x5d: {  	s30 =	simm.s32 $0x8400;
	v3 =	vadd.s32 v1, v3  }
0x5e: {  	[tilespmem:s30], [sflag:$0x1] =	stream.indirect_vreg.gather [hbm4b:s4+s2], $0x80, v4, vm0, $0xb8;
	[tilespmem:$0x1E400] =	vst v63  }
0x5f: {  	s31 =	simm.s32 $0x8C00  }
0x60: {  	[tilespmem:s31], [sflag:$0x1] =	stream.indirect_vreg.gather [hbm4b:s5+s2], $0x80, v4, vm0, $0xb8;
	[tilespmem:$0x1E400] =	vst v63  }
0x61: {  	s10 =	simm.s32 $0x9400  }
0x62: {  	[tilespmem:s10], [sflag:$0x1] =	stream.indirect_vreg.gather [hbm4b:s4+s2], $0x80, v3, vm0, $0xb8;
	[tilespmem:$0x1E400] =	vst v63  }
0x63: {  	s11 =	simm.s32 $0x9C00  }
0x64: {  	[tilespmem:s11], [sflag:$0x1] =	stream.indirect_vreg.gather [hbm4b:s5+s2], $0x80, v3, vm0, $0xb8;
	[tilespmem:$0x1E400] =	vst v63  }
0x65: {  	v3 =	vld [tilespmem:$0x50];
	_ =	sdelay $0x4  }
0x66: {  	v61 =	vshll.u32 v3, $0x2  }
0x67: {  	v3 =	vand.u32 $0x7, v3;
	v4 =	vand.u32 $0xFFFFFFE0, v61  }
0x68: {  	v3 =	vor.u32 v3, v4  }
0x69: {  	v4 =	vperm.xlane v3, v0;
	_ =	sdelay $0x1  }
0x6a: {  	v4 =	vadd.s32 v1, v4;
	_ =	sdelay $0x1  }
0x6b: {  	v3 =	vperm.xlane v3, v2;
	_ =	sdelay $0x1  }
0x6c: {  	s12 =	simm.s32 $0xA400;
	v3 =	vadd.s32 v1, v3  }
0x6d: {  	[tilespmem:s12], [sflag:$0x2] =	stream.indirect_vreg.gather [hbm4b:s4+s2], $0x80, v4, vm0, $0xb8;
	[tilespmem:$0x1E400] =	vst v63  }
0x6e: {  	s14 =	simm.s32 $0xAC00  }
0x6f: {  	[tilespmem:s14], [sflag:$0x2] =	stream.indirect_vreg.gather [hbm4b:s5+s2], $0x80, v4, vm0, $0xb8;
	[tilespmem:$0x1E400] =	vst v63  }
0x70: {  	s16 =	simm.s32 $0xB400  }
0x71: {  	[tilespmem:s16], [sflag:$0x2] =	stream.indirect_vreg.gather [hbm4b:s4+s2], $0x80, v3, vm0, $0xb8;
	[tilespmem:$0x1E400] =	vst v63  }
0x72: {  	s17 =	simm.s32 $0xBC00  }
0x73: {  	[tilespmem:s17], [sflag:$0x2] =	stream.indirect_vreg.gather [hbm4b:s5+s2], $0x80, v3, vm0, $0xb8;
	[tilespmem:$0x1E400] =	vst v63  }
0x74: {  	v3 =	vld [tilespmem:$0x60];
	_ =	sdelay $0x4  }
0x75: {  	v62 =	vshll.u32 v3, $0x2  }
0x76: {  	v3 =	vand.u32 $0x7, v3;
	v4 =	vand.u32 $0xFFFFFFE0, v62  }
0x77: {  	v3 =	vor.u32 v3, v4  }
0x78: {  	v4 =	vperm.xlane v3, v0;
	_ =	sdelay $0x1  }
0x79: {  	v4 =	vadd.s32 v1, v4;
	_ =	sdelay $0x1  }
0x7a: {  	v3 =	vperm.xlane v3, v2;
	_ =	sdelay $0x1  }
0x7b: {  	s19 =	simm.s32 $0xC400;
	v3 =	vadd.s32 v1, v3  }
0x7c: {  	[tilespmem:s19], [sflag:$0x2] =	stream.indirect_vreg.gather [hbm4b:s4+s2], $0x80, v4, vm0, $0xb8;
	[tilespmem:$0x1E400] =	vst v63  }
0x7d: {  	s20 =	simm.s32 $0xCC00  }
0x7e: {  	[tilespmem:s20], [sflag:$0x2] =	stream.indirect_vreg.gather [hbm4b:s5+s2], $0x80, v4, vm0, $0xb8;
	[tilespmem:$0x1E400] =	vst v63  }
0x7f: {  	s22 =	simm.s32 $0xD400  }
0x80: {  	[tilespmem:s22], [sflag:$0x2] =	stream.indirect_vreg.gather [hbm4b:s4+s2], $0x80, v3, vm0, $0xb8;
	[tilespmem:$0x1E400] =	vst v63  }
0x81: {  	s29 =	simm.s32 $0xDC00  }
0x82: {  	[tilespmem:s29], [sflag:$0x2] =	stream.indirect_vreg.gather [hbm4b:s5+s2], $0x80, v3, vm0, $0xb8;
	[tilespmem:$0x1E400] =	vst v63  }
0x83: {  	v3 =	vld [tilespmem:$0x70];
	_ =	sdelay $0x4  }
0x84: {  	v63 =	vshll.u32 v3, $0x2  }
0x85: {  	v3 =	vand.u32 $0x7, v3;
	v4 =	vand.u32 $0xFFFFFFE0, v63  }
0x86: {  	v3 =	vor.u32 v3, v4  }
0x87: {  	v4 =	vperm.xlane v3, v0;
	_ =	sdelay $0x1  }
0x88: {  	v4 =	vadd.s32 v1, v4;
	_ =	sdelay $0x1  }
0x89: {  	v3 =	vperm.xlane v3, v2;
	_ =	sdelay $0x1  }
0x8a: {  	s30 =	simm.s32 $0xE400;
	v3 =	vadd.s32 v1, v3  }
0x8b: {  	[tilespmem:s30], [sflag:$0x2] =	stream.indirect_vreg.gather [hbm4b:s4+s2], $0x80, v4, vm0, $0xb8;
	[tilespmem:$0x1E400] =	vst v63  }
0x8c: {  	s31 =	simm.s32 $0xEC00  }
0x8d: {  	[tilespmem:s31], [sflag:$0x2] =	stream.indirect_vreg.gather [hbm4b:s5+s2], $0x80, v4, vm0, $0xb8;
	[tilespmem:$0x1E400] =	vst v63  }
0x8e: {  	s10 =	simm.s32 $0xF400  }
0x8f: {  	[tilespmem:s10], [sflag:$0x2] =	stream.indirect_vreg.gather [hbm4b:s4+s2], $0x80, v3, vm0, $0xb8;
	[tilespmem:$0x1E400] =	vst v63  }
0x90: {  	s11 =	simm.s32 $0xFC00  }
0x91: {  	[tilespmem:s11], [sflag:$0x2] =	stream.indirect_vreg.gather [hbm4b:s5+s2], $0x80, v3, vm0, $0xb8;
	[tilespmem:$0x1E400] =	vst v63  }
0x92: {  	v3 =	vld [tilespmem:$0x80];
	_ =	sdelay $0x4  }
0x93: {  	v8 =	vshll.u32 v3, $0x2  }
0x94: {  	v3 =	vand.u32 $0x7, v3;
	v4 =	vand.u32 $0xFFFFFFE0, v8  }
0x95: {  	v3 =	vor.u32 v3, v4  }
0x96: {  	v4 =	vperm.xlane v3, v0;
	_ =	sdelay $0x1  }
0x97: {  	v4 =	vadd.s32 v1, v4;
	_ =	sdelay $0x1  }
0x98: {  	v3 =	vperm.xlane v3, v2;
	_ =	sdelay $0x1  }
0x99: {  	s12 =	simm.s32 $0x10400;
	v3 =	vadd.s32 v1, v3  }
0x9a: {  	[tilespmem:s12], [sflag:$0x2] =	stream.indirect_vreg.gather [hbm4b:s4+s2], $0x80, v4, vm0, $0xb8;
	[tilespmem:$0x1E400] =	vst v63  }
0x9b: {  	s14 =	simm.s32 $0x10C00  }
0x9c: {  	[tilespmem:s14], [sflag:$0x2] =	stream.indirect_vreg.gather [hbm4b:s5+s2], $0x80, v4, vm0, $0xb8;
	[tilespmem:$0x1E400] =	vst v63  }
0x9d: {  	s16 =	simm.s32 $0x11400  }
0x9e: {  	[tilespmem:s16], [sflag:$0x2] =	stream.indirect_vreg.gather [hbm4b:s4+s2], $0x80, v3, vm0, $0xb8;
	[tilespmem:$0x1E400] =	vst v63  }
0x9f: {  	s17 =	simm.s32 $0x11C00  }
0xa0: {  	[tilespmem:s17], [sflag:$0x2] =	stream.indirect_vreg.gather [hbm4b:s5+s2], $0x80, v3, vm0, $0xb8;
	[tilespmem:$0x1E400] =	vst v63  }
0xa1: {  	v3 =	vld [tilespmem:$0x90];
	_ =	sdelay $0x4  }
0xa2: {  	v9 =	vshll.u32 v3, $0x2  }
0xa3: {  	v3 =	vand.u32 $0x7, v3;
	v4 =	vand.u32 $0xFFFFFFE0, v9  }
0xa4: {  	v3 =	vor.u32 v3, v4  }
0xa5: {  	v4 =	vperm.xlane v3, v0;
	_ =	sdelay $0x1  }
0xa6: {  	v4 =	vadd.s32 v1, v4;
	_ =	sdelay $0x1  }
0xa7: {  	v3 =	vperm.xlane v3, v2;
	_ =	sdelay $0x1  }
0xa8: {  	s19 =	simm.s32 $0x12400;
	v3 =	vadd.s32 v1, v3  }
0xa9: {  	[tilespmem:s19], [sflag:$0x2] =	stream.indirect_vreg.gather [hbm4b:s4+s2], $0x80, v4, vm0, $0xb8;
	[tilespmem:$0x1E400] =	vst v63  }
0xaa: {  	s20 =	simm.s32 $0x12C00  }
0xab: {  	[tilespmem:s20], [sflag:$0x2] =	stream.indirect_vreg.gather [hbm4b:s5+s2], $0x80, v4, vm0, $0xb8;
	[tilespmem:$0x1E400] =	vst v63  }
0xac: {  	s22 =	simm.s32 $0x13400  }
0xad: {  	[tilespmem:s22], [sflag:$0x2] =	stream.indirect_vreg.gather [hbm4b:s4+s2], $0x80, v3, vm0, $0xb8;
	[tilespmem:$0x1E400] =	vst v63  }
0xae: {  	s29 =	simm.s32 $0x13C00  }
0xaf: {  	[tilespmem:s29], [sflag:$0x2] =	stream.indirect_vreg.gather [hbm4b:s5+s2], $0x80, v3, vm0, $0xb8;
	[tilespmem:$0x1E400] =	vst v63  }
0xb0: {  	_ =	swait.ge [sflag:s28], $0xA000  }
0xb1: {  	[sflag:s28] =	ssyncset.done $0x0  }
0xb2: {  	s1 =	simm.s32 $0x400;
	s30 =	rddreg [dreg:$0x10];
	[sflag:s28] =	ssyncadd.s32 $0xFFFF6000  }
0xb3: {  	[hbm4b:s30+s2] =	stream.linear.scatter [tilespmem:s1], [sflag:$0x4], $0xA000, $0x38;
	[tilespmem:$0x1E400] =	vst v63  }
0xb4: {  	v3 =	vld [tilespmem:$0xA0];
	_ =	sdelay $0x4  }
0xb5: {  	v10 =	vshll.u32 v3, $0x2  }
0xb6: {  	v3 =	vand.u32 $0x7, v3;
	v4 =	vand.u32 $0xFFFFFFE0, v10  }
0xb7: {  	v3 =	vor.u32 v3, v4  }
0xb8: {  	v4 =	vperm.xlane v3, v0;
	_ =	sdelay $0x1  }
0xb9: {  	v4 =	vadd.s32 v1, v4;
	_ =	sdelay $0x1  }
0xba: {  	v3 =	vperm.xlane v3, v2;
	_ =	sdelay $0x1  }
0xbb: {  	s31 =	simm.s32 $0x14400;
	v3 =	vadd.s32 v1, v3  }
0xbc: {  	[tilespmem:s31], [sflag:$0x3] =	stream.indirect_vreg.gather [hbm4b:s4+s2], $0x80, v4, vm0, $0xb8;
	[tilespmem:$0x1E400] =	vst v63  }
0xbd: {  	s10 =	simm.s32 $0x14C00  }
0xbe: {  	[tilespmem:s10], [sflag:$0x3] =	stream.indirect_vreg.gather [hbm4b:s5+s2], $0x80, v4, vm0, $0xb8;
	[tilespmem:$0x1E400] =	vst v63  }
0xbf: {  	s11 =	simm.s32 $0x15400  }
0xc0: {  	[tilespmem:s11], [sflag:$0x3] =	stream.indirect_vreg.gather [hbm4b:s4+s2], $0x80, v3, vm0, $0xb8;
	[tilespmem:$0x1E400] =	vst v63  }
0xc1: {  	s12 =	simm.s32 $0x15C00  }
0xc2: {  	[tilespmem:s12], [sflag:$0x3] =	stream.indirect_vreg.gather [hbm4b:s5+s2], $0x80, v3, vm0, $0xb8;
	[tilespmem:$0x1E400] =	vst v63  }
0xc3: {  	v3 =	vld [tilespmem:$0xB0];
	_ =	sdelay $0x4  }
0xc4: {  	v11 =	vshll.u32 v3, $0x2  }
0xc5: {  	v3 =	vand.u32 $0x7, v3;
	v4 =	vand.u32 $0xFFFFFFE0, v11  }
0xc6: {  	v3 =	vor.u32 v3, v4  }
0xc7: {  	v4 =	vperm.xlane v3, v0;
	_ =	sdelay $0x1  }
0xc8: {  	v4 =	vadd.s32 v1, v4;
	_ =	sdelay $0x1  }
0xc9: {  	v3 =	vperm.xlane v3, v2;
	_ =	sdelay $0x1  }
0xca: {  	s14 =	simm.s32 $0x16400;
	v3 =	vadd.s32 v1, v3  }
0xcb: {  	[tilespmem:s14], [sflag:$0x3] =	stream.indirect_vreg.gather [hbm4b:s4+s2], $0x80, v4, vm0, $0xb8;
	[tilespmem:$0x1E400] =	vst v63  }
0xcc: {  	s16 =	simm.s32 $0x16C00  }
0xcd: {  	[tilespmem:s16], [sflag:$0x3] =	stream.indirect_vreg.gather [hbm4b:s5+s2], $0x80, v4, vm0, $0xb8;
	[tilespmem:$0x1E400] =	vst v63  }
0xce: {  	s17 =	simm.s32 $0x17400  }
0xcf: {  	[tilespmem:s17], [sflag:$0x3] =	stream.indirect_vreg.gather [hbm4b:s4+s2], $0x80, v3, vm0, $0xb8;
	[tilespmem:$0x1E400] =	vst v63  }
0xd0: {  	s19 =	simm.s32 $0x17C00  }
0xd1: {  	[tilespmem:s19], [sflag:$0x3] =	stream.indirect_vreg.gather [hbm4b:s5+s2], $0x80, v3, vm0, $0xb8;
	[tilespmem:$0x1E400] =	vst v63  }
0xd2: {  	v3 =	vld [tilespmem:$0xC0];
	_ =	sdelay $0x4  }
0xd3: {  	v12 =	vshll.u32 v3, $0x2  }
0xd4: {  	v3 =	vand.u32 $0x7, v3;
	v4 =	vand.u32 $0xFFFFFFE0, v12  }
0xd5: {  	v3 =	vor.u32 v3, v4  }
0xd6: {  	v4 =	vperm.xlane v3, v0;
	_ =	sdelay $0x1  }
0xd7: {  	v4 =	vadd.s32 v1, v4;
	_ =	sdelay $0x1  }
0xd8: {  	v3 =	vperm.xlane v3, v2;
	_ =	sdelay $0x1  }
0xd9: {  	s20 =	simm.s32 $0x18400;
	v3 =	vadd.s32 v1, v3  }
0xda: {  	[tilespmem:s20], [sflag:$0x3] =	stream.indirect_vreg.gather [hbm4b:s4+s2], $0x80, v4, vm0, $0xb8;
	[tilespmem:$0x1E400] =	vst v63  }
0xdb: {  	s29 =	simm.s32 $0x18C00  }
0xdc: {  	[tilespmem:s29], [sflag:$0x3] =	stream.indirect_vreg.gather [hbm4b:s5+s2], $0x80, v4, vm0, $0xb8;
	[tilespmem:$0x1E400] =	vst v63  }
0xdd: {  	s30 =	simm.s32 $0x19400  }
0xde: {  	[tilespmem:s30], [sflag:$0x3] =	stream.indirect_vreg.gather [hbm4b:s4+s2], $0x80, v3, vm0, $0xb8;
	[tilespmem:$0x1E400] =	vst v63  }
0xdf: {  	s31 =	simm.s32 $0x19C00  }
0xe0: {  	[tilespmem:s31], [sflag:$0x3] =	stream.indirect_vreg.gather [hbm4b:s5+s2], $0x80, v3, vm0, $0xb8;
	[tilespmem:$0x1E400] =	vst v63  }
0xe1: {  	v3 =	vld [tilespmem:$0xD0];
	_ =	sdelay $0x4  }
0xe2: {  	v13 =	vshll.u32 v3, $0x2  }
0xe3: {  	v3 =	vand.u32 $0x7, v3;
	v4 =	vand.u32 $0xFFFFFFE0, v13  }
0xe4: {  	v3 =	vor.u32 v3, v4  }
0xe5: {  	v4 =	vperm.xlane v3, v0;
	_ =	sdelay $0x1  }
0xe6: {  	v4 =	vadd.s32 v1, v4;
	_ =	sdelay $0x1  }
0xe7: {  	v3 =	vperm.xlane v3, v2;
	_ =	sdelay $0x1  }
0xe8: {  	s10 =	simm.s32 $0x1A400;
	v3 =	vadd.s32 v1, v3  }
0xe9: {  	[tilespmem:s10], [sflag:$0x3] =	stream.indirect_vreg.gather [hbm4b:s4+s2], $0x80, v4, vm0, $0xb8;
	[tilespmem:$0x1E400] =	vst v63  }
0xea: {  	s11 =	simm.s32 $0x1AC00  }
0xeb: {  	[tilespmem:s11], [sflag:$0x3] =	stream.indirect_vreg.gather [hbm4b:s5+s2], $0x80, v4, vm0, $0xb8;
	[tilespmem:$0x1E400] =	vst v63  }
0xec: {  	s12 =	simm.s32 $0x1B400  }
0xed: {  	[tilespmem:s12], [sflag:$0x3] =	stream.indirect_vreg.gather [hbm4b:s4+s2], $0x80, v3, vm0, $0xb8;
	[tilespmem:$0x1E400] =	vst v63  }
0xee: {  	s14 =	simm.s32 $0x1BC00  }
0xef: {  	[tilespmem:s14], [sflag:$0x3] =	stream.indirect_vreg.gather [hbm4b:s5+s2], $0x80, v3, vm0, $0xb8;
	[tilespmem:$0x1E400] =	vst v63  }
0xf0: {  	v3 =	vld [tilespmem:$0xE0];
	_ =	sdelay $0x4  }
0xf1: {  	v14 =	vshll.u32 v3, $0x2  }
0xf2: {  	v3 =	vand.u32 $0x7, v3;
	v4 =	vand.u32 $0xFFFFFFE0, v14  }
0xf3: {  	v3 =	vor.u32 v3, v4  }
0xf4: {  	v4 =	vperm.xlane v3, v0;
	_ =	sdelay $0x1  }
0xf5: {  	v4 =	vadd.s32 v1, v4;
	_ =	sdelay $0x1  }
0xf6: {  	v3 =	vperm.xlane v3, v2;
	_ =	sdelay $0x1  }
0xf7: {  	s16 =	simm.s32 $0x1C400;
	v3 =	vadd.s32 v1, v3  }
0xf8: {  	[tilespmem:s16], [sflag:$0x3] =	stream.indirect_vreg.gather [hbm4b:s4+s2], $0x80, v4, vm0, $0xb8;
	[tilespmem:$0x1E400] =	vst v63  }
0xf9: {  	s17 =	simm.s32 $0x1CC00  }
0xfa: {  	[tilespmem:s17], [sflag:$0x3] =	stream.indirect_vreg.gather [hbm4b:s5+s2], $0x80, v4, vm0, $0xb8;
	[tilespmem:$0x1E400] =	vst v63  }
0xfb: {  	s19 =	simm.s32 $0x1D400  }
0xfc: {  	[tilespmem:s19], [sflag:$0x3] =	stream.indirect_vreg.gather [hbm4b:s4+s2], $0x80, v3, vm0, $0xb8;
	[tilespmem:$0x1E400] =	vst v63  }
0xfd: {  	s20 =	simm.s32 $0x1DC00  }
0xfe: {  	[tilespmem:s20], [sflag:$0x3] =	stream.indirect_vreg.gather [hbm4b:s5+s2], $0x80, v3, vm0, $0xb8;
	[tilespmem:$0x1E400] =	vst v63  }
0xff: {  	_ =	swait.ge [sflag:s15], $0xA000  }
0x100: {  	[sflag:s15] =	ssyncset.done $0x0  }
0x101: {  	s10 =	simm.s32 $0xA400;
	s29 =	rddreg [dreg:$0x4];
	[sflag:s15] =	ssyncadd.s32 $0xFFFF6000  }
0x102: {  	[hbm4b:s29+s2] =	stream.linear.scatter [tilespmem:s10], [sflag:$0x5], $0xA000, $0x38;
	[tilespmem:$0x1E400] =	vst v63  }
0x103: {  	_ =	swait.ge [sflag:s7], $0xA000  }
0x104: {  	[sflag:s7] =	ssyncset.done $0x0  }
0x105: {  	[sflag:s7] =	ssyncadd.s32 $0xFFFF6000  }
0x106: {  	v3 =	vld [tilespmem:$0xF0];
	_ =	sdelay $0x4  }
0x107: {  	v15 =	vshll.u32 v3, $0x2  }
0x108: {  	v3 =	vand.u32 $0x7, v3;
	v4 =	vand.u32 $0xFFFFFFE0, v15  }
0x109: {  	v3 =	vor.u32 v3, v4  }
0x10a: {  	v4 =	vperm.xlane v3, v0;
	_ =	sdelay $0x1  }
0x10b: {  	v4 =	vadd.s32 v1, v4;
	_ =	sdelay $0x1  }
0x10c: {  	v3 =	vperm.xlane v3, v2;
	_ =	sdelay $0x1  }
0x10d: {  	s1 =	simm.s32 $0x400;
	v3 =	vadd.s32 v1, v3  }
0x10e: {  	[tilespmem:s1], [sflag:$0x1] =	stream.indirect_vreg.gather [hbm4b:s4+s2], $0x80, v4, vm0, $0xb8;
	[tilespmem:$0x1E400] =	vst v63  }
0x10f: {  	s31 =	simm.s32 $0xC00  }
0x110: {  	[tilespmem:s31], [sflag:$0x1] =	stream.indirect_vreg.gather [hbm4b:s5+s2], $0x80, v4, vm0, $0xb8;
	[tilespmem:$0x1E400] =	vst v63  }
0x111: {  	s1 =	simm.s32 $0x1400  }
0x112: {  	[tilespmem:s1], [sflag:$0x1] =	stream.indirect_vreg.gather [hbm4b:s4+s2], $0x80, v3, vm0, $0xb8;
	[tilespmem:$0x1E400] =	vst v63  }
0x113: {  	s13 =	simm.s32 $0x1C00  }
0x114: {  	[tilespmem:s13], [sflag:$0x1] =	stream.indirect_vreg.gather [hbm4b:s5+s2], $0x80, v3, vm0, $0xb8;
	[tilespmem:$0x1E400] =	vst v63  }
0x115: {  	v3 =	vld [tilespmem:$0x100];
	_ =	sdelay $0x4  }
0x116: {  	v16 =	vshll.u32 v3, $0x2  }
0x117: {  	v3 =	vand.u32 $0x7, v3;
	v4 =	vand.u32 $0xFFFFFFE0, v16  }
0x118: {  	v3 =	vor.u32 v3, v4  }
0x119: {  	v4 =	vperm.xlane v3, v0;
	_ =	sdelay $0x1  }
0x11a: {  	v4 =	vadd.s32 v1, v4;
	_ =	sdelay $0x1  }
0x11b: {  	v3 =	vperm.xlane v3, v2;
	_ =	sdelay $0x1  }
0x11c: {  	s29 =	simm.s32 $0x2400;
	v3 =	vadd.s32 v1, v3  }
0x11d: {  	[tilespmem:s29], [sflag:$0x1] =	stream.indirect_vreg.gather [hbm4b:s4+s2], $0x80, v4, vm0, $0xb8;
	[tilespmem:$0x1E400] =	vst v63  }
0x11e: {  	s13 =	simm.s32 $0x2C00  }
0x11f: {  	[tilespmem:s13], [sflag:$0x1] =	stream.indirect_vreg.gather [hbm4b:s5+s2], $0x80, v4, vm0, $0xb8;
	[tilespmem:$0x1E400] =	vst v63  }
0x120: {  	s14 =	simm.s32 $0x3400  }
0x121: {  	[tilespmem:s14], [sflag:$0x1] =	stream.indirect_vreg.gather [hbm4b:s4+s2], $0x80, v3, vm0, $0xb8;
	[tilespmem:$0x1E400] =	vst v63  }
0x122: {  	s3 =	simm.s32 $0x3C00  }
0x123: {  	[tilespmem:s3], [sflag:$0x1] =	stream.indirect_vreg.gather [hbm4b:s5+s2], $0x80, v3, vm0, $0xb8;
	[tilespmem:$0x1E400] =	vst v63  }
0x124: {  	v3 =	vld [tilespmem:$0x110];
	_ =	sdelay $0x4  }
0x125: {  	v17 =	vshll.u32 v3, $0x2  }
0x126: {  	v3 =	vand.u32 $0x7, v3;
	v4 =	vand.u32 $0xFFFFFFE0, v17  }
0x127: {  	v3 =	vor.u32 v3, v4  }
0x128: {  	v4 =	vperm.xlane v3, v0;
	_ =	sdelay $0x1  }
0x129: {  	v4 =	vadd.s32 v1, v4;
	_ =	sdelay $0x1  }
0x12a: {  	v3 =	vperm.xlane v3, v2;
	_ =	sdelay $0x1  }
0x12b: {  	s3 =	simm.s32 $0x4400;
	v3 =	vadd.s32 v1, v3  }
0x12c: {  	[tilespmem:s3], [sflag:$0x1] =	stream.indirect_vreg.gather [hbm4b:s4+s2], $0x80, v4, vm0, $0xb8;
	[tilespmem:$0x1E400] =	vst v63  }
0x12d: {  	s16 =	simm.s32 $0x4C00  }
0x12e: {  	[tilespmem:s16], [sflag:$0x1] =	stream.indirect_vreg.gather [hbm4b:s5+s2], $0x80, v4, vm0, $0xb8;
	[tilespmem:$0x1E400] =	vst v63  }
0x12f: {  	s17 =	simm.s32 $0x5400  }
0x130: {  	[tilespmem:s17], [sflag:$0x1] =	stream.indirect_vreg.gather [hbm4b:s4+s2], $0x80, v3, vm0, $0xb8;
	[tilespmem:$0x1E400] =	vst v63  }
0x131: {  	s18 =	simm.s32 $0x5C00  }
0x132: {  	[tilespmem:s18], [sflag:$0x1] =	stream.indirect_vreg.gather [hbm4b:s5+s2], $0x80, v3, vm0, $0xb8;
	[tilespmem:$0x1E400] =	vst v63  }
0x133: {  	v3 =	vld [tilespmem:$0x120];
	_ =	sdelay $0x4  }
0x134: {  	v18 =	vshll.u32 v3, $0x2  }
0x135: {  	v3 =	vand.u32 $0x7, v3;
	v4 =	vand.u32 $0xFFFFFFE0, v18  }
0x136: {  	v3 =	vor.u32 v3, v4  }
0x137: {  	v4 =	vperm.xlane v3, v0;
	_ =	sdelay $0x1  }
0x138: {  	v4 =	vadd.s32 v1, v4;
	_ =	sdelay $0x1  }
0x139: {  	v3 =	vperm.xlane v3, v2;
	_ =	sdelay $0x1  }
0x13a: {  	s18 =	simm.s32 $0x6400;
	v3 =	vadd.s32 v1, v3  }
0x13b: {  	[tilespmem:s18], [sflag:$0x1] =	stream.indirect_vreg.gather [hbm4b:s4+s2], $0x80, v4, vm0, $0xb8;
	[tilespmem:$0x1E400] =	vst v63  }
0x13c: {  	s19 =	simm.s32 $0x6C00  }
0x13d: {  	[tilespmem:s19], [sflag:$0x1] =	stream.indirect_vreg.gather [hbm4b:s5+s2], $0x80, v4, vm0, $0xb8;
	[tilespmem:$0x1E400] =	vst v63  }
0x13e: {  	s20 =	simm.s32 $0x7400  }
0x13f: {  	[tilespmem:s20], [sflag:$0x1] =	stream.indirect_vreg.gather [hbm4b:s4+s2], $0x80, v3, vm0, $0xb8;
	[tilespmem:$0x1E400] =	vst v63  }
0x140: {  	s9 =	simm.s32 $0x7C00  }
0x141: {  	[tilespmem:s9], [sflag:$0x1] =	stream.indirect_vreg.gather [hbm4b:s5+s2], $0x80, v3, vm0, $0xb8;
	[tilespmem:$0x1E400] =	vst v63  }
0x142: {  	v3 =	vld [tilespmem:$0x130];
	_ =	sdelay $0x4  }
0x143: {  	v19 =	vshll.u32 v3, $0x2  }
0x144: {  	v3 =	vand.u32 $0x7, v3;
	v4 =	vand.u32 $0xFFFFFFE0, v19  }
0x145: {  	v3 =	vor.u32 v3, v4  }
0x146: {  	v4 =	vperm.xlane v3, v0;
	_ =	sdelay $0x1  }
0x147: {  	v4 =	vadd.s32 v1, v4;
	_ =	sdelay $0x1  }
0x148: {  	v3 =	vperm.xlane v3, v2;
	_ =	sdelay $0x1  }
0x149: {  	s8 =	simm.s32 $0x8400;
	v3 =	vadd.s32 v1, v3  }
0x14a: {  	[tilespmem:s8], [sflag:$0x1] =	stream.indirect_vreg.gather [hbm4b:s4+s2], $0x80, v4, vm0, $0xb8;
	[tilespmem:$0x1E400] =	vst v63  }
0x14b: {  	s1 =	simm.s32 $0x8C00  }
0x14c: {  	[tilespmem:s1], [sflag:$0x1] =	stream.indirect_vreg.gather [hbm4b:s5+s2], $0x80, v4, vm0, $0xb8;
	[tilespmem:$0x1E400] =	vst v63  }
0x14d: {  	s8 =	simm.s32 $0x9400  }
0x14e: {  	[tilespmem:s8], [sflag:$0x1] =	stream.indirect_vreg.gather [hbm4b:s4+s2], $0x80, v3, vm0, $0xb8;
	[tilespmem:$0x1E400] =	vst v63  }
0x14f: {  	s9 =	simm.s32 $0x9C00  }
0x150: {  	[tilespmem:s9], [sflag:$0x1] =	stream.indirect_vreg.gather [hbm4b:s5+s2], $0x80, v3, vm0, $0xb8;
	[tilespmem:$0x1E400] =	vst v63  }
0x151: {  	_ =	swait.ge [sflag:s24], $0xA000  }
0x152: {  	[sflag:s24] =	ssyncset.done $0x0  }
0x153: {  	s8 =	simm.s32 $0x14400;
	s12 =	rddreg [dreg:$0x5];
	[sflag:s24] =	ssyncadd.s32 $0xFFFF6000  }
0x154: {  	[hbm4b:s12+s2] =	stream.linear.scatter [tilespmem:s8], [sflag:$0x6], $0xA000, $0x38;
	[tilespmem:$0x1E400] =	vst v63  }
0x155: {  	_ =	swait.ge [sflag:s25], $0xA000  }
0x156: {  	[sflag:s25] =	ssyncset.done $0x0  }
0x157: {  	[sflag:s25] =	ssyncadd.s32 $0xFFFF6000  }
0x158: {  	v3 =	vld [tilespmem:$0x140];
	_ =	sdelay $0x4  }
0x159: {  	v20 =	vshll.u32 v3, $0x2  }
0x15a: {  	v3 =	vand.u32 $0x7, v3;
	v4 =	vand.u32 $0xFFFFFFE0, v20  }
0x15b: {  	v3 =	vor.u32 v3, v4  }
0x15c: {  	v4 =	vperm.xlane v3, v0;
	_ =	sdelay $0x1  }
0x15d: {  	v4 =	vadd.s32 v1, v4;
	_ =	sdelay $0x1  }
0x15e: {  	v3 =	vperm.xlane v3, v2;
	_ =	sdelay $0x1  }
0x15f: {  	v3 =	vadd.s32 v1, v3  }
0x160: {  	[tilespmem:s10], [sflag:$0x2] =	stream.indirect_vreg.gather [hbm4b:s4+s2], $0x80, v4, vm0, $0xb8;
	[tilespmem:$0x1E400] =	vst v63  }
0x161: {  	s21 =	simm.s32 $0xAC00  }
0x162: {  	[tilespmem:s21], [sflag:$0x2] =	stream.indirect_vreg.gather [hbm4b:s5+s2], $0x80, v4, vm0, $0xb8;
	[tilespmem:$0x1E400] =	vst v63  }
0x163: {  	s23 =	simm.s32 $0xB400  }
0x164: {  	[tilespmem:s23], [sflag:$0x2] =	stream.indirect_vreg.gather [hbm4b:s4+s2], $0x80, v3, vm0, $0xb8;
	[tilespmem:$0x1E400] =	vst v63  }
0x165: {  	s12 =	simm.s32 $0xBC00  }
0x166: {  	[tilespmem:s12], [sflag:$0x2] =	stream.indirect_vreg.gather [hbm4b:s5+s2], $0x80, v3, vm0, $0xb8;
	[tilespmem:$0x1E400] =	vst v63  }
0x167: {  	v3 =	vld [tilespmem:$0x150];
	_ =	sdelay $0x4  }
0x168: {  	v21 =	vshll.u32 v3, $0x2  }
0x169: {  	v3 =	vand.u32 $0x7, v3;
	v4 =	vand.u32 $0xFFFFFFE0, v21  }
0x16a: {  	v3 =	vor.u32 v3, v4  }
0x16b: {  	v4 =	vperm.xlane v3, v0;
	_ =	sdelay $0x1  }
0x16c: {  	v4 =	vadd.s32 v1, v4;
	_ =	sdelay $0x1  }
0x16d: {  	v3 =	vperm.xlane v3, v2;
	_ =	sdelay $0x1  }
0x16e: {  	s21 =	simm.s32 $0xC400;
	v3 =	vadd.s32 v1, v3  }
0x16f: {  	[tilespmem:s21], [sflag:$0x2] =	stream.indirect_vreg.gather [hbm4b:s4+s2], $0x80, v4, vm0, $0xb8;
	[tilespmem:$0x1E400] =	vst v63  }
0x170: {  	s23 =	simm.s32 $0xCC00  }
0x171: {  	[tilespmem:s23], [sflag:$0x2] =	stream.indirect_vreg.gather [hbm4b:s5+s2], $0x80, v4, vm0, $0xb8;
	[tilespmem:$0x1E400] =	vst v63  }
0x172: {  	s31 =	simm.s32 $0xD400  }
0x173: {  	[tilespmem:s31], [sflag:$0x2] =	stream.indirect_vreg.gather [hbm4b:s4+s2], $0x80, v3, vm0, $0xb8;
	[tilespmem:$0x1E400] =	vst v63  }
0x174: {  	s3 =	simm.s32 $0xDC00  }
0x175: {  	[tilespmem:s3], [sflag:$0x2] =	stream.indirect_vreg.gather [hbm4b:s5+s2], $0x80, v3, vm0, $0xb8;
	[tilespmem:$0x1E400] =	vst v63  }
0x176: {  	v3 =	vld [tilespmem:$0x160];
	_ =	sdelay $0x4  }
0x177: {  	v22 =	vshll.u32 v3, $0x2  }
0x178: {  	v3 =	vand.u32 $0x7, v3;
	v4 =	vand.u32 $0xFFFFFFE0, v22  }
0x179: {  	v3 =	vor.u32 v3, v4  }
0x17a: {  	v4 =	vperm.xlane v3, v0;
	_ =	sdelay $0x1  }
0x17b: {  	v4 =	vadd.s32 v1, v4;
	_ =	sdelay $0x1  }
0x17c: {  	v3 =	vperm.xlane v3, v2;
	_ =	sdelay $0x1  }
0x17d: {  	s10 =	simm.s32 $0xE400;
	v3 =	vadd.s32 v1, v3  }
0x17e: {  	[tilespmem:s10], [sflag:$0x2] =	stream.indirect_vreg.gather [hbm4b:s4+s2], $0x80, v4, vm0, $0xb8;
	[tilespmem:$0x1E400] =	vst v63  }
0x17f: {  	s21 =	simm.s32 $0xEC00  }
0x180: {  	[tilespmem:s21], [sflag:$0x2] =	stream.indirect_vreg.gather [hbm4b:s5+s2], $0x80, v4, vm0, $0xb8;
	[tilespmem:$0x1E400] =	vst v63  }
0x181: {  	s23 =	simm.s32 $0xF400  }
0x182: {  	[tilespmem:s23], [sflag:$0x2] =	stream.indirect_vreg.gather [hbm4b:s4+s2], $0x80, v3, vm0, $0xb8;
	[tilespmem:$0x1E400] =	vst v63  }
0x183: {  	s31 =	simm.s32 $0xFC00  }
0x184: {  	[tilespmem:s31], [sflag:$0x2] =	stream.indirect_vreg.gather [hbm4b:s5+s2], $0x80, v3, vm0, $0xb8;
	[tilespmem:$0x1E400] =	vst v63  }
0x185: {  	v3 =	vld [tilespmem:$0x170];
	_ =	sdelay $0x4  }
0x186: {  	v23 =	vshll.u32 v3, $0x2  }
0x187: {  	v3 =	vand.u32 $0x7, v3;
	v4 =	vand.u32 $0xFFFFFFE0, v23  }
0x188: {  	v3 =	vor.u32 v3, v4  }
0x189: {  	v4 =	vperm.xlane v3, v0;
	_ =	sdelay $0x1  }
0x18a: {  	v4 =	vadd.s32 v1, v4;
	_ =	sdelay $0x1  }
0x18b: {  	v3 =	vperm.xlane v3, v2;
	_ =	sdelay $0x1  }
0x18c: {  	s3 =	simm.s32 $0x10400;
	v3 =	vadd.s32 v1, v3  }
0x18d: {  	[tilespmem:s3], [sflag:$0x2] =	stream.indirect_vreg.gather [hbm4b:s4+s2], $0x80, v4, vm0, $0xb8;
	[tilespmem:$0x1E400] =	vst v63  }
0x18e: {  	s10 =	simm.s32 $0x10C00  }
0x18f: {  	[tilespmem:s10], [sflag:$0x2] =	stream.indirect_vreg.gather [hbm4b:s5+s2], $0x80, v4, vm0, $0xb8;
	[tilespmem:$0x1E400] =	vst v63  }
0x190: {  	s21 =	simm.s32 $0x11400  }
0x191: {  	[tilespmem:s21], [sflag:$0x2] =	stream.indirect_vreg.gather [hbm4b:s4+s2], $0x80, v3, vm0, $0xb8;
	[tilespmem:$0x1E400] =	vst v63  }
0x192: {  	s23 =	simm.s32 $0x11C00  }
0x193: {  	[tilespmem:s23], [sflag:$0x2] =	stream.indirect_vreg.gather [hbm4b:s5+s2], $0x80, v3, vm0, $0xb8;
	[tilespmem:$0x1E400] =	vst v63  }
0x194: {  	v3 =	vld [tilespmem:$0x180];
	_ =	sdelay $0x4  }
0x195: {  	v24 =	vshll.u32 v3, $0x2  }
0x196: {  	v3 =	vand.u32 $0x7, v3;
	v4 =	vand.u32 $0xFFFFFFE0, v24  }
0x197: {  	v3 =	vor.u32 v3, v4  }
0x198: {  	v4 =	vperm.xlane v3, v0;
	_ =	sdelay $0x1  }
0x199: {  	v4 =	vadd.s32 v1, v4;
	_ =	sdelay $0x1  }
0x19a: {  	v3 =	vperm.xlane v3, v2;
	_ =	sdelay $0x1  }
0x19b: {  	s31 =	simm.s32 $0x12400;
	v3 =	vadd.s32 v1, v3  }
0x19c: {  	[tilespmem:s31], [sflag:$0x2] =	stream.indirect_vreg.gather [hbm4b:s4+s2], $0x80, v4, vm0, $0xb8;
	[tilespmem:$0x1E400] =	vst v63  }
0x19d: {  	s3 =	simm.s32 $0x12C00  }
0x19e: {  	[tilespmem:s3], [sflag:$0x2] =	stream.indirect_vreg.gather [hbm4b:s5+s2], $0x80, v4, vm0, $0xb8;
	[tilespmem:$0x1E400] =	vst v63  }
0x19f: {  	s10 =	simm.s32 $0x13400  }
0x1a0: {  	[tilespmem:s10], [sflag:$0x2] =	stream.indirect_vreg.gather [hbm4b:s4+s2], $0x80, v3, vm0, $0xb8;
	[tilespmem:$0x1E400] =	vst v63  }
0x1a1: {  	s21 =	simm.s32 $0x13C00  }
0x1a2: {  	[tilespmem:s21], [sflag:$0x2] =	stream.indirect_vreg.gather [hbm4b:s5+s2], $0x80, v3, vm0, $0xb8;
	[tilespmem:$0x1E400] =	vst v63  }
0x1a3: {  	_ =	swait.ge [sflag:s28], $0xA000  }
0x1a4: {  	[sflag:s28] =	ssyncset.done $0x0  }
0x1a5: {  	s11 =	simm.s32 $0x400;
	s23 =	rddreg [dreg:$0x6];
	[sflag:s28] =	ssyncadd.s32 $0xFFFF6000  }
0x1a6: {  	[hbm4b:s23+s2] =	stream.linear.scatter [tilespmem:s11], [sflag:$0x4], $0xA000, $0x38;
	[tilespmem:$0x1E400] =	vst v63  }
0x1a7: {  	_ =	swait.ge [sflag:s26], $0xA000  }
0x1a8: {  	[sflag:s26] =	ssyncset.done $0x0  }
0x1a9: {  	[sflag:s26] =	ssyncadd.s32 $0xFFFF6000  }
0x1aa: {  	v3 =	vld [tilespmem:$0x190];
	_ =	sdelay $0x4  }
0x1ab: {  	v25 =	vshll.u32 v3, $0x2  }
0x1ac: {  	v3 =	vand.u32 $0x7, v3;
	v4 =	vand.u32 $0xFFFFFFE0, v25  }
0x1ad: {  	v3 =	vor.u32 v3, v4  }
0x1ae: {  	v4 =	vperm.xlane v3, v0;
	_ =	sdelay $0x1  }
0x1af: {  	v4 =	vadd.s32 v1, v4;
	_ =	sdelay $0x1  }
0x1b0: {  	v3 =	vperm.xlane v3, v2;
	_ =	sdelay $0x1  }
0x1b1: {  	v3 =	vadd.s32 v1, v3  }
0x1b2: {  	[tilespmem:s8], [sflag:$0x3] =	stream.indirect_vreg.gather [hbm4b:s4+s2], $0x80, v4, vm0, $0xb8;
	[tilespmem:$0x1E400] =	vst v63  }
0x1b3: {  	s3 =	simm.s32 $0x14C00  }
0x1b4: {  	[tilespmem:s3], [sflag:$0x3] =	stream.indirect_vreg.gather [hbm4b:s5+s2], $0x80, v4, vm0, $0xb8;
	[tilespmem:$0x1E400] =	vst v63  }
0x1b5: {  	s21 =	simm.s32 $0x15400  }
0x1b6: {  	[tilespmem:s21], [sflag:$0x3] =	stream.indirect_vreg.gather [hbm4b:s4+s2], $0x80, v3, vm0, $0xb8;
	[tilespmem:$0x1E400] =	vst v63  }
0x1b7: {  	s8 =	simm.s32 $0x15C00  }
0x1b8: {  	[tilespmem:s8], [sflag:$0x3] =	stream.indirect_vreg.gather [hbm4b:s5+s2], $0x80, v3, vm0, $0xb8;
	[tilespmem:$0x1E400] =	vst v63  }
0x1b9: {  	v3 =	vld [tilespmem:$0x1A0];
	_ =	sdelay $0x4  }
0x1ba: {  	v26 =	vshll.u32 v3, $0x2  }
0x1bb: {  	v3 =	vand.u32 $0x7, v3;
	v4 =	vand.u32 $0xFFFFFFE0, v26  }
0x1bc: {  	v3 =	vor.u32 v3, v4  }
0x1bd: {  	v4 =	vperm.xlane v3, v0;
	_ =	sdelay $0x1  }
0x1be: {  	v4 =	vadd.s32 v1, v4;
	_ =	sdelay $0x1  }
0x1bf: {  	v3 =	vperm.xlane v3, v2;
	_ =	sdelay $0x1  }
0x1c0: {  	s23 =	simm.s32 $0x16400;
	v3 =	vadd.s32 v1, v3  }
0x1c1: {  	[tilespmem:s23], [sflag:$0x3] =	stream.indirect_vreg.gather [hbm4b:s4+s2], $0x80, v4, vm0, $0xb8;
	[tilespmem:$0x1E400] =	vst v63  }
0x1c2: {  	s10 =	simm.s32 $0x16C00  }
0x1c3: {  	[tilespmem:s10], [sflag:$0x3] =	stream.indirect_vreg.gather [hbm4b:s5+s2], $0x80, v4, vm0, $0xb8;
	[tilespmem:$0x1E400] =	vst v63  }
0x1c4: {  	s11 =	simm.s32 $0x17400  }
0x1c5: {  	[tilespmem:s11], [sflag:$0x3] =	stream.indirect_vreg.gather [hbm4b:s4+s2], $0x80, v3, vm0, $0xb8;
	[tilespmem:$0x1E400] =	vst v63  }
0x1c6: {  	s22 =	simm.s32 $0x17C00  }
0x1c7: {  	[tilespmem:s22], [sflag:$0x3] =	stream.indirect_vreg.gather [hbm4b:s5+s2], $0x80, v3, vm0, $0xb8;
	[tilespmem:$0x1E400] =	vst v63  }
0x1c8: {  	v3 =	vld [tilespmem:$0x1B0];
	_ =	sdelay $0x4  }
0x1c9: {  	v27 =	vshll.u32 v3, $0x2  }
0x1ca: {  	v3 =	vand.u32 $0x7, v3;
	v4 =	vand.u32 $0xFFFFFFE0, v27  }
0x1cb: {  	v3 =	vor.u32 v3, v4  }
0x1cc: {  	v4 =	vperm.xlane v3, v0;
	_ =	sdelay $0x1  }
0x1cd: {  	v4 =	vadd.s32 v1, v4;
	_ =	sdelay $0x1  }
0x1ce: {  	v3 =	vperm.xlane v3, v2;
	_ =	sdelay $0x1  }
0x1cf: {  	s31 =	simm.s32 $0x18400;
	v3 =	vadd.s32 v1, v3  }
0x1d0: {  	[tilespmem:s31], [sflag:$0x3] =	stream.indirect_vreg.gather [hbm4b:s4+s2], $0x80, v4, vm0, $0xb8;
	[tilespmem:$0x1E400] =	vst v63  }
0x1d1: {  	s22 =	simm.s32 $0x18C00  }
0x1d2: {  	[tilespmem:s22], [sflag:$0x3] =	stream.indirect_vreg.gather [hbm4b:s5+s2], $0x80, v4, vm0, $0xb8;
	[tilespmem:$0x1E400] =	vst v63  }
0x1d3: {  	s3 =	simm.s32 $0x19400  }
0x1d4: {  	[tilespmem:s3], [sflag:$0x3] =	stream.indirect_vreg.gather [hbm4b:s4+s2], $0x80, v3, vm0, $0xb8;
	[tilespmem:$0x1E400] =	vst v63  }
0x1d5: {  	s30 =	simm.s32 $0x19C00  }
0x1d6: {  	[tilespmem:s30], [sflag:$0x3] =	stream.indirect_vreg.gather [hbm4b:s5+s2], $0x80, v3, vm0, $0xb8;
	[tilespmem:$0x1E400] =	vst v63  }
0x1d7: {  	v3 =	vld [tilespmem:$0x1C0];
	_ =	sdelay $0x4  }
0x1d8: {  	v28 =	vshll.u32 v3, $0x2  }
0x1d9: {  	v3 =	vand.u32 $0x7, v3;
	v4 =	vand.u32 $0xFFFFFFE0, v28  }
0x1da: {  	v3 =	vor.u32 v3, v4  }
0x1db: {  	v4 =	vperm.xlane v3, v0;
	_ =	sdelay $0x1  }
0x1dc: {  	v4 =	vadd.s32 v1, v4;
	_ =	sdelay $0x1  }
0x1dd: {  	v3 =	vperm.xlane v3, v2;
	_ =	sdelay $0x1  }
0x1de: {  	s30 =	simm.s32 $0x1A400;
	v3 =	vadd.s32 v1, v3  }
0x1df: {  	[tilespmem:s30], [sflag:$0x3] =	stream.indirect_vreg.gather [hbm4b:s4+s2], $0x80, v4, vm0, $0xb8;
	[tilespmem:$0x1E400] =	vst v63  }
0x1e0: {  	s10 =	simm.s32 $0x1AC00  }
0x1e1: {  	[tilespmem:s10], [sflag:$0x3] =	stream.indirect_vreg.gather [hbm4b:s5+s2], $0x80, v4, vm0, $0xb8;
	[tilespmem:$0x1E400] =	vst v63  }
0x1e2: {  	s11 =	simm.s32 $0x1B400  }
0x1e3: {  	[tilespmem:s11], [sflag:$0x3] =	stream.indirect_vreg.gather [hbm4b:s4+s2], $0x80, v3, vm0, $0xb8;
	[tilespmem:$0x1E400] =	vst v63  }
0x1e4: {  	s3 =	simm.s32 $0x1BC00  }
0x1e5: {  	[tilespmem:s3], [sflag:$0x3] =	stream.indirect_vreg.gather [hbm4b:s5+s2], $0x80, v3, vm0, $0xb8;
	[tilespmem:$0x1E400] =	vst v63  }
0x1e6: {  	v3 =	vld [tilespmem:$0x1D0];
	_ =	sdelay $0x4  }
0x1e7: {  	v29 =	vshll.u32 v3, $0x2  }
0x1e8: {  	v3 =	vand.u32 $0x7, v3;
	v4 =	vand.u32 $0xFFFFFFE0, v29  }
0x1e9: {  	v3 =	vor.u32 v3, v4  }
0x1ea: {  	v4 =	vperm.xlane v3, v0;
	_ =	sdelay $0x1  }
0x1eb: {  	v4 =	vadd.s32 v1, v4;
	_ =	sdelay $0x1  }
0x1ec: {  	v3 =	vperm.xlane v3, v2;
	_ =	sdelay $0x1  }
0x1ed: {  	s8 =	simm.s32 $0x1C400;
	v3 =	vadd.s32 v1, v3  }
0x1ee: {  	[tilespmem:s8], [sflag:$0x3] =	stream.indirect_vreg.gather [hbm4b:s4+s2], $0x80, v4, vm0, $0xb8;
	[tilespmem:$0x1E400] =	vst v63  }
0x1ef: {  	s10 =	simm.s32 $0x1CC00  }
0x1f0: {  	[tilespmem:s10], [sflag:$0x3] =	stream.indirect_vreg.gather [hbm4b:s5+s2], $0x80, v4, vm0, $0xb8;
	[tilespmem:$0x1E400] =	vst v63  }
0x1f1: {  	s11 =	simm.s32 $0x1D400  }
0x1f2: {  	[tilespmem:s11], [sflag:$0x3] =	stream.indirect_vreg.gather [hbm4b:s4+s2], $0x80, v3, vm0, $0xb8;
	[tilespmem:$0x1E400] =	vst v63  }
0x1f3: {  	s3 =	simm.s32 $0x1DC00  }
0x1f4: {  	[tilespmem:s3], [sflag:$0x3] =	stream.indirect_vreg.gather [hbm4b:s5+s2], $0x80, v3, vm0, $0xb8;
	[tilespmem:$0x1E400] =	vst v63  }
0x1f5: {  	_ =	swait.ge [sflag:s15], $0xA000  }
0x1f6: {  	[sflag:s15] =	ssyncset.done $0x0  }
0x1f7: {  	s0 =	simm.s32 $0xA400;
	s8 =	rddreg [dreg:$0x7];
	[sflag:s15] =	ssyncadd.s32 $0xFFFF6000  }
0x1f8: {  	[hbm4b:s8+s2] =	stream.linear.scatter [tilespmem:s0], [sflag:$0x5], $0xA000, $0x38;
	[tilespmem:$0x1E400] =	vst v63  }
0x1f9: {  	_ =	swait.ge [sflag:s7], $0xA000  }
0x1fa: {  	[sflag:s7] =	ssyncset.done $0x0  }
0x1fb: {  	[sflag:s7] =	ssyncadd.s32 $0xFFFF6000  }
0x1fc: {  	v3 =	vld [tilespmem:$0x1E0];
	_ =	sdelay $0x4  }
0x1fd: {  	v30 =	vshll.u32 v3, $0x2  }
0x1fe: {  	v3 =	vand.u32 $0x7, v3;
	v4 =	vand.u32 $0xFFFFFFE0, v30  }
0x1ff: {  	v3 =	vor.u32 v3, v4  }
0x200: {  	v4 =	vperm.xlane v3, v0;
	_ =	sdelay $0x1  }
0x201: {  	v4 =	vadd.s32 v1, v4;
	_ =	sdelay $0x1  }
0x202: {  	v3 =	vperm.xlane v3, v2;
	_ =	sdelay $0x1  }
0x203: {  	s9 =	simm.s32 $0x400;
	v3 =	vadd.s32 v1, v3  }
0x204: {  	[tilespmem:s9], [sflag:$0x1] =	stream.indirect_vreg.gather [hbm4b:s4+s2], $0x80, v4, vm0, $0xb8;
	[tilespmem:$0x1E400] =	vst v63  }
0x205: {  	s10 =	simm.s32 $0xC00  }
0x206: {  	[tilespmem:s10], [sflag:$0x1] =	stream.indirect_vreg.gather [hbm4b:s5+s2], $0x80, v4, vm0, $0xb8;
	[tilespmem:$0x1E400] =	vst v63  }
0x207: {  	s11 =	simm.s32 $0x1400  }
0x208: {  	[tilespmem:s11], [sflag:$0x1] =	stream.indirect_vreg.gather [hbm4b:s4+s2], $0x80, v3, vm0, $0xb8;
	[tilespmem:$0x1E400] =	vst v63  }
0x209: {  	s8 =	simm.s32 $0x1C00  }
0x20a: {  	[tilespmem:s8], [sflag:$0x1] =	stream.indirect_vreg.gather [hbm4b:s5+s2], $0x80, v3, vm0, $0xb8;
	[tilespmem:$0x1E400] =	vst v63  }
0x20b: {  	v3 =	vld [tilespmem:$0x1F0];
	_ =	sdelay $0x4  }
0x20c: {  	v31 =	vshll.u32 v3, $0x2  }
0x20d: {  	v3 =	vand.u32 $0x7, v3;
	v4 =	vand.u32 $0xFFFFFFE0, v31  }
0x20e: {  	v3 =	vor.u32 v3, v4  }
0x20f: {  	v4 =	vperm.xlane v3, v0;
	_ =	sdelay $0x1  }
0x210: {  	v4 =	vadd.s32 v1, v4;
	_ =	sdelay $0x1  }
0x211: {  	v3 =	vperm.xlane v3, v2;
	_ =	sdelay $0x1  }
0x212: {  	v3 =	vadd.s32 v1, v3  }
0x213: {  	[tilespmem:s29], [sflag:$0x1] =	stream.indirect_vreg.gather [hbm4b:s4+s2], $0x80, v4, vm0, $0xb8;
	[tilespmem:$0x1E400] =	vst v63  }
0x214: {  	_ = 	snop  }
0x215: {  	[tilespmem:s13], [sflag:$0x1] =	stream.indirect_vreg.gather [hbm4b:s5+s2], $0x80, v4, vm0, $0xb8;
	[tilespmem:$0x1E400] =	vst v63  }
0x216: {  	_ = 	snop  }
0x217: {  	[tilespmem:s14], [sflag:$0x1] =	stream.indirect_vreg.gather [hbm4b:s4+s2], $0x80, v3, vm0, $0xb8;
	[tilespmem:$0x1E400] =	vst v63  }
0x218: {  	s9 =	simm.s32 $0x3C00  }
0x219: {  	[tilespmem:s9], [sflag:$0x1] =	stream.indirect_vreg.gather [hbm4b:s5+s2], $0x80, v3, vm0, $0xb8;
	[tilespmem:$0x1E400] =	vst v63  }
0x21a: {  	v3 =	vld [tilespmem:$0x200];
	_ =	sdelay $0x4  }
0x21b: {  	v32 =	vshll.u32 v3, $0x2  }
0x21c: {  	v3 =	vand.u32 $0x7, v3;
	v4 =	vand.u32 $0xFFFFFFE0, v32  }
0x21d: {  	v3 =	vor.u32 v3, v4  }
0x21e: {  	v4 =	vperm.xlane v3, v0;
	_ =	sdelay $0x1  }
0x21f: {  	v4 =	vadd.s32 v1, v4;
	_ =	sdelay $0x1  }
0x220: {  	v3 =	vperm.xlane v3, v2;
	_ =	sdelay $0x1  }
0x221: {  	s29 =	simm.s32 $0x4400;
	v3 =	vadd.s32 v1, v3  }
0x222: {  	[tilespmem:s29], [sflag:$0x1] =	stream.indirect_vreg.gather [hbm4b:s4+s2], $0x80, v4, vm0, $0xb8;
	[tilespmem:$0x1E400] =	vst v63  }
0x223: {  	_ = 	snop  }
0x224: {  	[tilespmem:s16], [sflag:$0x1] =	stream.indirect_vreg.gather [hbm4b:s5+s2], $0x80, v4, vm0, $0xb8;
	[tilespmem:$0x1E400] =	vst v63  }
0x225: {  	_ = 	snop  }
0x226: {  	[tilespmem:s17], [sflag:$0x1] =	stream.indirect_vreg.gather [hbm4b:s4+s2], $0x80, v3, vm0, $0xb8;
	[tilespmem:$0x1E400] =	vst v63  }
0x227: {  	s10 =	simm.s32 $0x5C00  }
0x228: {  	[tilespmem:s10], [sflag:$0x1] =	stream.indirect_vreg.gather [hbm4b:s5+s2], $0x80, v3, vm0, $0xb8;
	[tilespmem:$0x1E400] =	vst v63  }
0x229: {  	v3 =	vld [tilespmem:$0x210];
	_ =	sdelay $0x4  }
0x22a: {  	v33 =	vshll.u32 v3, $0x2  }
0x22b: {  	v3 =	vand.u32 $0x7, v3;
	v4 =	vand.u32 $0xFFFFFFE0, v33  }
0x22c: {  	v3 =	vor.u32 v3, v4  }
0x22d: {  	v4 =	vperm.xlane v3, v0;
	_ =	sdelay $0x1  }
0x22e: {  	v4 =	vadd.s32 v1, v4;
	_ =	sdelay $0x1  }
0x22f: {  	v3 =	vperm.xlane v3, v2;
	_ =	sdelay $0x1  }
0x230: {  	v3 =	vadd.s32 v1, v3  }
0x231: {  	[tilespmem:s18], [sflag:$0x1] =	stream.indirect_vreg.gather [hbm4b:s4+s2], $0x80, v4, vm0, $0xb8;
	[tilespmem:$0x1E400] =	vst v63  }
0x232: {  	_ = 	snop  }
0x233: {  	[tilespmem:s19], [sflag:$0x1] =	stream.indirect_vreg.gather [hbm4b:s5+s2], $0x80, v4, vm0, $0xb8;
	[tilespmem:$0x1E400] =	vst v63  }
0x234: {  	_ = 	snop  }
0x235: {  	[tilespmem:s20], [sflag:$0x1] =	stream.indirect_vreg.gather [hbm4b:s4+s2], $0x80, v3, vm0, $0xb8;
	[tilespmem:$0x1E400] =	vst v63  }
0x236: {  	s11 =	simm.s32 $0x7C00  }
0x237: {  	[tilespmem:s11], [sflag:$0x1] =	stream.indirect_vreg.gather [hbm4b:s5+s2], $0x80, v3, vm0, $0xb8;
	[tilespmem:$0x1E400] =	vst v63  }
0x238: {  	v3 =	vld [tilespmem:$0x220];
	_ =	sdelay $0x4  }
0x239: {  	v34 =	vshll.u32 v3, $0x2  }
0x23a: {  	v3 =	vand.u32 $0x7, v3;
	v4 =	vand.u32 $0xFFFFFFE0, v34  }
0x23b: {  	v3 =	vor.u32 v3, v4  }
0x23c: {  	v4 =	vperm.xlane v3, v0;
	_ =	sdelay $0x1  }
0x23d: {  	v4 =	vadd.s32 v1, v4;
	_ =	sdelay $0x1  }
0x23e: {  	v3 =	vperm.xlane v3, v2;
	_ =	sdelay $0x1  }
0x23f: {  	s31 =	simm.s32 $0x8400;
	v3 =	vadd.s32 v1, v3  }
0x240: {  	[tilespmem:s31], [sflag:$0x1] =	stream.indirect_vreg.gather [hbm4b:s4+s2], $0x80, v4, vm0, $0xb8;
	[tilespmem:$0x1E400] =	vst v63  }
0x241: {  	_ = 	snop  }
0x242: {  	[tilespmem:s1], [sflag:$0x1] =	stream.indirect_vreg.gather [hbm4b:s5+s2], $0x80, v4, vm0, $0xb8;
	[tilespmem:$0x1E400] =	vst v63  }
0x243: {  	s13 =	simm.s32 $0x9400  }
0x244: {  	[tilespmem:s13], [sflag:$0x1] =	stream.indirect_vreg.gather [hbm4b:s4+s2], $0x80, v3, vm0, $0xb8;
	[tilespmem:$0x1E400] =	vst v63  }
0x245: {  	s14 =	simm.s32 $0x9C00  }
0x246: {  	[tilespmem:s14], [sflag:$0x1] =	stream.indirect_vreg.gather [hbm4b:s5+s2], $0x80, v3, vm0, $0xb8;
	[tilespmem:$0x1E400] =	vst v63  }
0x247: {  	_ =	swait.ge [sflag:s24], $0xA000  }
0x248: {  	[sflag:s24] =	ssyncset.done $0x0  }
0x249: {  	s1 =	simm.s32 $0x14400;
	s16 =	rddreg [dreg:$0x8];
	[sflag:s24] =	ssyncadd.s32 $0xFFFF6000  }
0x24a: {  	[hbm4b:s16+s2] =	stream.linear.scatter [tilespmem:s1], [sflag:$0x6], $0xA000, $0x38;
	[tilespmem:$0x1E400] =	vst v63  }
0x24b: {  	_ =	swait.ge [sflag:s25], $0xA000  }
0x24c: {  	[sflag:s25] =	ssyncset.done $0x0  }
0x24d: {  	[sflag:s25] =	ssyncadd.s32 $0xFFFF6000  }
0x24e: {  	v3 =	vld [tilespmem:$0x230];
	_ =	sdelay $0x4  }
0x24f: {  	v35 =	vshll.u32 v3, $0x2  }
0x250: {  	v3 =	vand.u32 $0x7, v3;
	v4 =	vand.u32 $0xFFFFFFE0, v35  }
0x251: {  	v3 =	vor.u32 v3, v4  }
0x252: {  	v4 =	vperm.xlane v3, v0;
	_ =	sdelay $0x1  }
0x253: {  	v4 =	vadd.s32 v1, v4;
	_ =	sdelay $0x1  }
0x254: {  	v3 =	vperm.xlane v3, v2;
	_ =	sdelay $0x1  }
0x255: {  	v3 =	vadd.s32 v1, v3  }
0x256: {  	[tilespmem:s0], [sflag:$0x2] =	stream.indirect_vreg.gather [hbm4b:s4+s2], $0x80, v4, vm0, $0xb8;
	[tilespmem:$0x1E400] =	vst v63  }
0x257: {  	s17 =	simm.s32 $0xAC00  }
0x258: {  	[tilespmem:s17], [sflag:$0x2] =	stream.indirect_vreg.gather [hbm4b:s5+s2], $0x80, v4, vm0, $0xb8;
	[tilespmem:$0x1E400] =	vst v63  }
0x259: {  	s18 =	simm.s32 $0xB400  }
0x25a: {  	[tilespmem:s18], [sflag:$0x2] =	stream.indirect_vreg.gather [hbm4b:s4+s2], $0x80, v3, vm0, $0xb8;
	[tilespmem:$0x1E400] =	vst v63  }
0x25b: {  	_ = 	snop  }
0x25c: {  	[tilespmem:s12], [sflag:$0x2] =	stream.indirect_vreg.gather [hbm4b:s5+s2], $0x80, v3, vm0, $0xb8;
	[tilespmem:$0x1E400] =	vst v63  }
0x25d: {  	v3 =	vld [tilespmem:$0x240];
	_ =	sdelay $0x4  }
0x25e: {  	v36 =	vshll.u32 v3, $0x2  }
0x25f: {  	v3 =	vand.u32 $0x7, v3;
	v4 =	vand.u32 $0xFFFFFFE0, v36  }
0x260: {  	v3 =	vor.u32 v3, v4  }
0x261: {  	v4 =	vperm.xlane v3, v0;
	_ =	sdelay $0x1  }
0x262: {  	v4 =	vadd.s32 v1, v4;
	_ =	sdelay $0x1  }
0x263: {  	v3 =	vperm.xlane v3, v2;
	_ =	sdelay $0x1  }
0x264: {  	s19 =	simm.s32 $0xC400;
	v3 =	vadd.s32 v1, v3  }
0x265: {  	[tilespmem:s19], [sflag:$0x2] =	stream.indirect_vreg.gather [hbm4b:s4+s2], $0x80, v4, vm0, $0xb8;
	[tilespmem:$0x1E400] =	vst v63  }
0x266: {  	s20 =	simm.s32 $0xCC00  }
0x267: {  	[tilespmem:s20], [sflag:$0x2] =	stream.indirect_vreg.gather [hbm4b:s5+s2], $0x80, v4, vm0, $0xb8;
	[tilespmem:$0x1E400] =	vst v63  }
0x268: {  	s29 =	simm.s32 $0xD400  }
0x269: {  	[tilespmem:s29], [sflag:$0x2] =	stream.indirect_vreg.gather [hbm4b:s4+s2], $0x80, v3, vm0, $0xb8;
	[tilespmem:$0x1E400] =	vst v63  }
0x26a: {  	s31 =	simm.s32 $0xDC00  }
0x26b: {  	[tilespmem:s31], [sflag:$0x2] =	stream.indirect_vreg.gather [hbm4b:s5+s2], $0x80, v3, vm0, $0xb8;
	[tilespmem:$0x1E400] =	vst v63  }
0x26c: {  	v3 =	vld [tilespmem:$0x250];
	_ =	sdelay $0x4  }
0x26d: {  	v37 =	vshll.u32 v3, $0x2  }
0x26e: {  	v3 =	vand.u32 $0x7, v3;
	v4 =	vand.u32 $0xFFFFFFE0, v37  }
0x26f: {  	v3 =	vor.u32 v3, v4  }
0x270: {  	v4 =	vperm.xlane v3, v0;
	_ =	sdelay $0x1  }
0x271: {  	v4 =	vadd.s32 v1, v4;
	_ =	sdelay $0x1  }
0x272: {  	v3 =	vperm.xlane v3, v2;
	_ =	sdelay $0x1  }
0x273: {  	s12 =	simm.s32 $0xE400;
	v3 =	vadd.s32 v1, v3  }
0x274: {  	[tilespmem:s12], [sflag:$0x2] =	stream.indirect_vreg.gather [hbm4b:s4+s2], $0x80, v4, vm0, $0xb8;
	[tilespmem:$0x1E400] =	vst v63  }
0x275: {  	s13 =	simm.s32 $0xEC00  }
0x276: {  	[tilespmem:s13], [sflag:$0x2] =	stream.indirect_vreg.gather [hbm4b:s5+s2], $0x80, v4, vm0, $0xb8;
	[tilespmem:$0x1E400] =	vst v63  }
0x277: {  	s14 =	simm.s32 $0xF400  }
0x278: {  	[tilespmem:s14], [sflag:$0x2] =	stream.indirect_vreg.gather [hbm4b:s4+s2], $0x80, v3, vm0, $0xb8;
	[tilespmem:$0x1E400] =	vst v63  }
0x279: {  	s16 =	simm.s32 $0xFC00  }
0x27a: {  	[tilespmem:s16], [sflag:$0x2] =	stream.indirect_vreg.gather [hbm4b:s5+s2], $0x80, v3, vm0, $0xb8;
	[tilespmem:$0x1E400] =	vst v63  }
0x27b: {  	v3 =	vld [tilespmem:$0x260];
	_ =	sdelay $0x4  }
0x27c: {  	v38 =	vshll.u32 v3, $0x2  }
0x27d: {  	v3 =	vand.u32 $0x7, v3;
	v4 =	vand.u32 $0xFFFFFFE0, v38  }
0x27e: {  	v3 =	vor.u32 v3, v4  }
0x27f: {  	v4 =	vperm.xlane v3, v0;
	_ =	sdelay $0x1  }
0x280: {  	v4 =	vadd.s32 v1, v4;
	_ =	sdelay $0x1  }
0x281: {  	v3 =	vperm.xlane v3, v2;
	_ =	sdelay $0x1  }
0x282: {  	s17 =	simm.s32 $0x10400;
	v3 =	vadd.s32 v1, v3  }
0x283: {  	[tilespmem:s17], [sflag:$0x2] =	stream.indirect_vreg.gather [hbm4b:s4+s2], $0x80, v4, vm0, $0xb8;
	[tilespmem:$0x1E400] =	vst v63  }
0x284: {  	s18 =	simm.s32 $0x10C00  }
0x285: {  	[tilespmem:s18], [sflag:$0x2] =	stream.indirect_vreg.gather [hbm4b:s5+s2], $0x80, v4, vm0, $0xb8;
	[tilespmem:$0x1E400] =	vst v63  }
0x286: {  	s19 =	simm.s32 $0x11400  }
0x287: {  	[tilespmem:s19], [sflag:$0x2] =	stream.indirect_vreg.gather [hbm4b:s4+s2], $0x80, v3, vm0, $0xb8;
	[tilespmem:$0x1E400] =	vst v63  }
0x288: {  	s20 =	simm.s32 $0x11C00  }
0x289: {  	[tilespmem:s20], [sflag:$0x2] =	stream.indirect_vreg.gather [hbm4b:s5+s2], $0x80, v3, vm0, $0xb8;
	[tilespmem:$0x1E400] =	vst v63  }
0x28a: {  	v3 =	vld [tilespmem:$0x270];
	_ =	sdelay $0x4  }
0x28b: {  	v39 =	vshll.u32 v3, $0x2  }
0x28c: {  	v3 =	vand.u32 $0x7, v3;
	v4 =	vand.u32 $0xFFFFFFE0, v39  }
0x28d: {  	v3 =	vor.u32 v3, v4  }
0x28e: {  	v4 =	vperm.xlane v3, v0;
	_ =	sdelay $0x1  }
0x28f: {  	v4 =	vadd.s32 v1, v4;
	_ =	sdelay $0x1  }
0x290: {  	v3 =	vperm.xlane v3, v2;
	_ =	sdelay $0x1  }
0x291: {  	s29 =	simm.s32 $0x12400;
	v3 =	vadd.s32 v1, v3  }
0x292: {  	[tilespmem:s29], [sflag:$0x2] =	stream.indirect_vreg.gather [hbm4b:s4+s2], $0x80, v4, vm0, $0xb8;
	[tilespmem:$0x1E400] =	vst v63  }
0x293: {  	s31 =	simm.s32 $0x12C00  }
0x294: {  	[tilespmem:s31], [sflag:$0x2] =	stream.indirect_vreg.gather [hbm4b:s5+s2], $0x80, v4, vm0, $0xb8;
	[tilespmem:$0x1E400] =	vst v63  }
0x295: {  	s12 =	simm.s32 $0x13400  }
0x296: {  	[tilespmem:s12], [sflag:$0x2] =	stream.indirect_vreg.gather [hbm4b:s4+s2], $0x80, v3, vm0, $0xb8;
	[tilespmem:$0x1E400] =	vst v63  }
0x297: {  	s13 =	simm.s32 $0x13C00  }
0x298: {  	[tilespmem:s13], [sflag:$0x2] =	stream.indirect_vreg.gather [hbm4b:s5+s2], $0x80, v3, vm0, $0xb8;
	[tilespmem:$0x1E400] =	vst v63  }
0x299: {  	_ =	swait.ge [sflag:s28], $0xA000  }
0x29a: {  	[sflag:s28] =	ssyncset.done $0x0  }
0x29b: {  	s3 =	simm.s32 $0x400;
	s14 =	rddreg [dreg:$0x9];
	[sflag:s28] =	ssyncadd.s32 $0xFFFF6000  }
0x29c: {  	[hbm4b:s14+s2] =	stream.linear.scatter [tilespmem:s3], [sflag:$0x4], $0xA000, $0x38;
	[tilespmem:$0x1E400] =	vst v63  }
0x29d: {  	_ =	swait.ge [sflag:s26], $0xA000  }
0x29e: {  	[sflag:s26] =	ssyncset.done $0x0  }
0x29f: {  	[sflag:s26] =	ssyncadd.s32 $0xFFFF6000  }
0x2a0: {  	v3 =	vld [tilespmem:$0x280];
	_ =	sdelay $0x4  }
0x2a1: {  	v40 =	vshll.u32 v3, $0x2  }
0x2a2: {  	v3 =	vand.u32 $0x7, v3;
	v4 =	vand.u32 $0xFFFFFFE0, v40  }
0x2a3: {  	v3 =	vor.u32 v3, v4  }
0x2a4: {  	v4 =	vperm.xlane v3, v0;
	_ =	sdelay $0x1  }
0x2a5: {  	v4 =	vadd.s32 v1, v4;
	_ =	sdelay $0x1  }
0x2a6: {  	v3 =	vperm.xlane v3, v2;
	_ =	sdelay $0x1  }
0x2a7: {  	v3 =	vadd.s32 v1, v3  }
0x2a8: {  	[tilespmem:s1], [sflag:$0x3] =	stream.indirect_vreg.gather [hbm4b:s4+s2], $0x80, v4, vm0, $0xb8;
	[tilespmem:$0x1E400] =	vst v63  }
0x2a9: {  	s16 =	simm.s32 $0x14C00  }
0x2aa: {  	[tilespmem:s16], [sflag:$0x3] =	stream.indirect_vreg.gather [hbm4b:s5+s2], $0x80, v4, vm0, $0xb8;
	[tilespmem:$0x1E400] =	vst v63  }
0x2ab: {  	_ = 	snop  }
0x2ac: {  	[tilespmem:s21], [sflag:$0x3] =	stream.indirect_vreg.gather [hbm4b:s4+s2], $0x80, v3, vm0, $0xb8;
	[tilespmem:$0x1E400] =	vst v63  }
0x2ad: {  	s17 =	simm.s32 $0x15C00  }
0x2ae: {  	[tilespmem:s17], [sflag:$0x3] =	stream.indirect_vreg.gather [hbm4b:s5+s2], $0x80, v3, vm0, $0xb8;
	[tilespmem:$0x1E400] =	vst v63  }
0x2af: {  	v3 =	vld [tilespmem:$0x290];
	_ =	sdelay $0x4  }
0x2b0: {  	v41 =	vshll.u32 v3, $0x2  }
0x2b1: {  	v3 =	vand.u32 $0x7, v3;
	v4 =	vand.u32 $0xFFFFFFE0, v41  }
0x2b2: {  	v3 =	vor.u32 v3, v4  }
0x2b3: {  	v4 =	vperm.xlane v3, v0;
	_ =	sdelay $0x1  }
0x2b4: {  	v4 =	vadd.s32 v1, v4;
	_ =	sdelay $0x1  }
0x2b5: {  	v3 =	vperm.xlane v3, v2;
	_ =	sdelay $0x1  }
0x2b6: {  	v3 =	vadd.s32 v1, v3  }
0x2b7: {  	[tilespmem:s23], [sflag:$0x3] =	stream.indirect_vreg.gather [hbm4b:s4+s2], $0x80, v4, vm0, $0xb8;
	[tilespmem:$0x1E400] =	vst v63  }
0x2b8: {  	s18 =	simm.s32 $0x16C00  }
0x2b9: {  	[tilespmem:s18], [sflag:$0x3] =	stream.indirect_vreg.gather [hbm4b:s5+s2], $0x80, v4, vm0, $0xb8;
	[tilespmem:$0x1E400] =	vst v63  }
0x2ba: {  	s19 =	simm.s32 $0x17400  }
0x2bb: {  	[tilespmem:s19], [sflag:$0x3] =	stream.indirect_vreg.gather [hbm4b:s4+s2], $0x80, v3, vm0, $0xb8;
	[tilespmem:$0x1E400] =	vst v63  }
0x2bc: {  	s23 =	simm.s32 $0x17C00  }
0x2bd: {  	[tilespmem:s23], [sflag:$0x3] =	stream.indirect_vreg.gather [hbm4b:s5+s2], $0x80, v3, vm0, $0xb8;
	[tilespmem:$0x1E400] =	vst v63  }
0x2be: {  	v3 =	vld [tilespmem:$0x2A0];
	_ =	sdelay $0x4  }
0x2bf: {  	v42 =	vshll.u32 v3, $0x2  }
0x2c0: {  	v3 =	vand.u32 $0x7, v3;
	v4 =	vand.u32 $0xFFFFFFE0, v42  }
0x2c1: {  	v3 =	vor.u32 v3, v4  }
0x2c2: {  	v4 =	vperm.xlane v3, v0;
	_ =	sdelay $0x1  }
0x2c3: {  	v4 =	vadd.s32 v1, v4;
	_ =	sdelay $0x1  }
0x2c4: {  	v3 =	vperm.xlane v3, v2;
	_ =	sdelay $0x1  }
0x2c5: {  	s29 =	simm.s32 $0x18400;
	v3 =	vadd.s32 v1, v3  }
0x2c6: {  	[tilespmem:s29], [sflag:$0x3] =	stream.indirect_vreg.gather [hbm4b:s4+s2], $0x80, v4, vm0, $0xb8;
	[tilespmem:$0x1E400] =	vst v63  }
0x2c7: {  	_ = 	snop  }
0x2c8: {  	[tilespmem:s22], [sflag:$0x3] =	stream.indirect_vreg.gather [hbm4b:s5+s2], $0x80, v4, vm0, $0xb8;
	[tilespmem:$0x1E400] =	vst v63  }
0x2c9: {  	s31 =	simm.s32 $0x19400  }
0x2ca: {  	[tilespmem:s31], [sflag:$0x3] =	stream.indirect_vreg.gather [hbm4b:s4+s2], $0x80, v3, vm0, $0xb8;
	[tilespmem:$0x1E400] =	vst v63  }
0x2cb: {  	s1 =	simm.s32 $0x19C00  }
0x2cc: {  	[tilespmem:s1], [sflag:$0x3] =	stream.indirect_vreg.gather [hbm4b:s5+s2], $0x80, v3, vm0, $0xb8;
	[tilespmem:$0x1E400] =	vst v63  }
0x2cd: {  	v3 =	vld [tilespmem:$0x2B0];
	_ =	sdelay $0x4  }
0x2ce: {  	v43 =	vshll.u32 v3, $0x2  }
0x2cf: {  	v3 =	vand.u32 $0x7, v3;
	v4 =	vand.u32 $0xFFFFFFE0, v43  }
0x2d0: {  	v3 =	vor.u32 v3, v4  }
0x2d1: {  	v4 =	vperm.xlane v3, v0;
	_ =	sdelay $0x1  }
0x2d2: {  	v4 =	vadd.s32 v1, v4;
	_ =	sdelay $0x1  }
0x2d3: {  	v3 =	vperm.xlane v3, v2;
	_ =	sdelay $0x1  }
0x2d4: {  	v3 =	vadd.s32 v1, v3  }
0x2d5: {  	[tilespmem:s30], [sflag:$0x3] =	stream.indirect_vreg.gather [hbm4b:s4+s2], $0x80, v4, vm0, $0xb8;
	[tilespmem:$0x1E400] =	vst v63  }
0x2d6: {  	s3 =	simm.s32 $0x1AC00  }
0x2d7: {  	[tilespmem:s3], [sflag:$0x3] =	stream.indirect_vreg.gather [hbm4b:s5+s2], $0x80, v4, vm0, $0xb8;
	[tilespmem:$0x1E400] =	vst v63  }
0x2d8: {  	s12 =	simm.s32 $0x1B400  }
0x2d9: {  	[tilespmem:s12], [sflag:$0x3] =	stream.indirect_vreg.gather [hbm4b:s4+s2], $0x80, v3, vm0, $0xb8;
	[tilespmem:$0x1E400] =	vst v63  }
0x2da: {  	s13 =	simm.s32 $0x1BC00  }
0x2db: {  	[tilespmem:s13], [sflag:$0x3] =	stream.indirect_vreg.gather [hbm4b:s5+s2], $0x80, v3, vm0, $0xb8;
	[tilespmem:$0x1E400] =	vst v63  }
0x2dc: {  	v3 =	vld [tilespmem:$0x2C0];
	_ =	sdelay $0x4  }
0x2dd: {  	v44 =	vshll.u32 v3, $0x2  }
0x2de: {  	v3 =	vand.u32 $0x7, v3;
	v4 =	vand.u32 $0xFFFFFFE0, v44  }
0x2df: {  	v3 =	vor.u32 v3, v4  }
0x2e0: {  	v4 =	vperm.xlane v3, v0;
	_ =	sdelay $0x1  }
0x2e1: {  	v4 =	vadd.s32 v1, v4;
	_ =	sdelay $0x1  }
0x2e2: {  	v3 =	vperm.xlane v3, v2;
	_ =	sdelay $0x1  }
0x2e3: {  	s14 =	simm.s32 $0x1C400;
	v3 =	vadd.s32 v1, v3  }
0x2e4: {  	[tilespmem:s14], [sflag:$0x3] =	stream.indirect_vreg.gather [hbm4b:s4+s2], $0x80, v4, vm0, $0xb8;
	[tilespmem:$0x1E400] =	vst v63  }
0x2e5: {  	s16 =	simm.s32 $0x1CC00  }
0x2e6: {  	[tilespmem:s16], [sflag:$0x3] =	stream.indirect_vreg.gather [hbm4b:s5+s2], $0x80, v4, vm0, $0xb8;
	[tilespmem:$0x1E400] =	vst v63  }
0x2e7: {  	s17 =	simm.s32 $0x1D400  }
0x2e8: {  	[tilespmem:s17], [sflag:$0x3] =	stream.indirect_vreg.gather [hbm4b:s4+s2], $0x80, v3, vm0, $0xb8;
	[tilespmem:$0x1E400] =	vst v63  }
0x2e9: {  	s18 =	simm.s32 $0x1DC00  }
0x2ea: {  	[tilespmem:s18], [sflag:$0x3] =	stream.indirect_vreg.gather [hbm4b:s5+s2], $0x80, v3, vm0, $0xb8;
	[tilespmem:$0x1E400] =	vst v63  }
0x2eb: {  	_ =	swait.ge [sflag:s15], $0xA000  }
0x2ec: {  	[sflag:s15] =	ssyncset.done $0x0  }
0x2ed: {  	s0 =	simm.s32 $0xA400;
	s19 =	rddreg [dreg:$0xa];
	[sflag:s15] =	ssyncadd.s32 $0xFFFF6000  }
0x2ee: {  	[hbm4b:s19+s2] =	stream.linear.scatter [tilespmem:s0], [sflag:$0x5], $0xA000, $0x38;
	[tilespmem:$0x1E400] =	vst v63  }
0x2ef: {  	_ =	swait.ge [sflag:s7], $0xA000  }
0x2f0: {  	[sflag:s7] =	ssyncset.done $0x0  }
0x2f1: {  	[sflag:s7] =	ssyncadd.s32 $0xFFFF6000  }
0x2f2: {  	v3 =	vld [tilespmem:$0x2D0];
	_ =	sdelay $0x4  }
0x2f3: {  	v45 =	vshll.u32 v3, $0x2  }
0x2f4: {  	v3 =	vand.u32 $0x7, v3;
	v4 =	vand.u32 $0xFFFFFFE0, v45  }
0x2f5: {  	v3 =	vor.u32 v3, v4  }
0x2f6: {  	v4 =	vperm.xlane v3, v0;
	_ =	sdelay $0x1  }
0x2f7: {  	v4 =	vadd.s32 v1, v4;
	_ =	sdelay $0x1  }
0x2f8: {  	v3 =	vperm.xlane v3, v2;
	_ =	sdelay $0x1  }
0x2f9: {  	s3 =	simm.s32 $0x400;
	v3 =	vadd.s32 v1, v3  }
0x2fa: {  	[tilespmem:s3], [sflag:$0x1] =	stream.indirect_vreg.gather [hbm4b:s4+s2], $0x80, v4, vm0, $0xb8;
	[tilespmem:$0x1E400] =	vst v63  }
0x2fb: {  	s1 =	simm.s32 $0xC00  }
0x2fc: {  	[tilespmem:s1], [sflag:$0x1] =	stream.indirect_vreg.gather [hbm4b:s5+s2], $0x80, v4, vm0, $0xb8;
	[tilespmem:$0x1E400] =	vst v63  }
0x2fd: {  	s12 =	simm.s32 $0x1400  }
0x2fe: {  	[tilespmem:s12], [sflag:$0x1] =	stream.indirect_vreg.gather [hbm4b:s4+s2], $0x80, v3, vm0, $0xb8;
	[tilespmem:$0x1E400] =	vst v63  }
0x2ff: {  	_ = 	snop  }
0x300: {  	[tilespmem:s8], [sflag:$0x1] =	stream.indirect_vreg.gather [hbm4b:s5+s2], $0x80, v3, vm0, $0xb8;
	[tilespmem:$0x1E400] =	vst v63  }
0x301: {  	v3 =	vld [tilespmem:$0x2E0];
	_ =	sdelay $0x4  }
0x302: {  	v46 =	vshll.u32 v3, $0x2  }
0x303: {  	v3 =	vand.u32 $0x7, v3;
	v4 =	vand.u32 $0xFFFFFFE0, v46  }
0x304: {  	v3 =	vor.u32 v3, v4  }
0x305: {  	v4 =	vperm.xlane v3, v0;
	_ =	sdelay $0x1  }
0x306: {  	v4 =	vadd.s32 v1, v4;
	_ =	sdelay $0x1  }
0x307: {  	v3 =	vperm.xlane v3, v2;
	_ =	sdelay $0x1  }
0x308: {  	s8 =	simm.s32 $0x2400;
	v3 =	vadd.s32 v1, v3  }
0x309: {  	[tilespmem:s8], [sflag:$0x1] =	stream.indirect_vreg.gather [hbm4b:s4+s2], $0x80, v4, vm0, $0xb8;
	[tilespmem:$0x1E400] =	vst v63  }
0x30a: {  	s13 =	simm.s32 $0x2C00  }
0x30b: {  	[tilespmem:s13], [sflag:$0x1] =	stream.indirect_vreg.gather [hbm4b:s5+s2], $0x80, v4, vm0, $0xb8;
	[tilespmem:$0x1E400] =	vst v63  }
0x30c: {  	s14 =	simm.s32 $0x3400  }
0x30d: {  	[tilespmem:s14], [sflag:$0x1] =	stream.indirect_vreg.gather [hbm4b:s4+s2], $0x80, v3, vm0, $0xb8;
	[tilespmem:$0x1E400] =	vst v63  }
0x30e: {  	_ = 	snop  }
0x30f: {  	[tilespmem:s9], [sflag:$0x1] =	stream.indirect_vreg.gather [hbm4b:s5+s2], $0x80, v3, vm0, $0xb8;
	[tilespmem:$0x1E400] =	vst v63  }
0x310: {  	v3 =	vld [tilespmem:$0x2F0];
	_ =	sdelay $0x4  }
0x311: {  	v47 =	vshll.u32 v3, $0x2  }
0x312: {  	v3 =	vand.u32 $0x7, v3;
	v4 =	vand.u32 $0xFFFFFFE0, v47  }
0x313: {  	v3 =	vor.u32 v3, v4  }
0x314: {  	v4 =	vperm.xlane v3, v0;
	_ =	sdelay $0x1  }
0x315: {  	v4 =	vadd.s32 v1, v4;
	_ =	sdelay $0x1  }
0x316: {  	v3 =	vperm.xlane v3, v2;
	_ =	sdelay $0x1  }
0x317: {  	s9 =	simm.s32 $0x4400;
	v3 =	vadd.s32 v1, v3  }
0x318: {  	[tilespmem:s9], [sflag:$0x1] =	stream.indirect_vreg.gather [hbm4b:s4+s2], $0x80, v4, vm0, $0xb8;
	[tilespmem:$0x1E400] =	vst v63  }
0x319: {  	s16 =	simm.s32 $0x4C00  }
0x31a: {  	[tilespmem:s16], [sflag:$0x1] =	stream.indirect_vreg.gather [hbm4b:s5+s2], $0x80, v4, vm0, $0xb8;
	[tilespmem:$0x1E400] =	vst v63  }
0x31b: {  	s17 =	simm.s32 $0x5400  }
0x31c: {  	[tilespmem:s17], [sflag:$0x1] =	stream.indirect_vreg.gather [hbm4b:s4+s2], $0x80, v3, vm0, $0xb8;
	[tilespmem:$0x1E400] =	vst v63  }
0x31d: {  	_ = 	snop  }
0x31e: {  	[tilespmem:s10], [sflag:$0x1] =	stream.indirect_vreg.gather [hbm4b:s5+s2], $0x80, v3, vm0, $0xb8;
	[tilespmem:$0x1E400] =	vst v63  }
0x31f: {  	v3 =	vld [tilespmem:$0x300];
	_ =	sdelay $0x4  }
0x320: {  	v48 =	vshll.u32 v3, $0x2  }
0x321: {  	v3 =	vand.u32 $0x7, v3;
	v4 =	vand.u32 $0xFFFFFFE0, v48  }
0x322: {  	v3 =	vor.u32 v3, v4  }
0x323: {  	v4 =	vperm.xlane v3, v0;
	_ =	sdelay $0x1  }
0x324: {  	v4 =	vadd.s32 v1, v4;
	_ =	sdelay $0x1  }
0x325: {  	v3 =	vperm.xlane v3, v2;
	_ =	sdelay $0x1  }
0x326: {  	s10 =	simm.s32 $0x6400;
	v3 =	vadd.s32 v1, v3  }
0x327: {  	[tilespmem:s10], [sflag:$0x1] =	stream.indirect_vreg.gather [hbm4b:s4+s2], $0x80, v4, vm0, $0xb8;
	[tilespmem:$0x1E400] =	vst v63  }
0x328: {  	s18 =	simm.s32 $0x6C00  }
0x329: {  	[tilespmem:s18], [sflag:$0x1] =	stream.indirect_vreg.gather [hbm4b:s5+s2], $0x80, v4, vm0, $0xb8;
	[tilespmem:$0x1E400] =	vst v63  }
0x32a: {  	s19 =	simm.s32 $0x7400  }
0x32b: {  	[tilespmem:s19], [sflag:$0x1] =	stream.indirect_vreg.gather [hbm4b:s4+s2], $0x80, v3, vm0, $0xb8;
	[tilespmem:$0x1E400] =	vst v63  }
0x32c: {  	_ = 	snop  }
0x32d: {  	[tilespmem:s11], [sflag:$0x1] =	stream.indirect_vreg.gather [hbm4b:s5+s2], $0x80, v3, vm0, $0xb8;
	[tilespmem:$0x1E400] =	vst v63  }
0x32e: {  	v3 =	vld [tilespmem:$0x310];
	_ =	sdelay $0x4  }
0x32f: {  	v49 =	vshll.u32 v3, $0x2  }
0x330: {  	v3 =	vand.u32 $0x7, v3;
	v4 =	vand.u32 $0xFFFFFFE0, v49  }
0x331: {  	v3 =	vor.u32 v3, v4  }
0x332: {  	v4 =	vperm.xlane v3, v0;
	_ =	sdelay $0x1  }
0x333: {  	v4 =	vadd.s32 v1, v4;
	_ =	sdelay $0x1  }
0x334: {  	v3 =	vperm.xlane v3, v2;
	_ =	sdelay $0x1  }
0x335: {  	s31 =	simm.s32 $0x8400;
	v3 =	vadd.s32 v1, v3  }
0x336: {  	[tilespmem:s31], [sflag:$0x1] =	stream.indirect_vreg.gather [hbm4b:s4+s2], $0x80, v4, vm0, $0xb8;
	[tilespmem:$0x1E400] =	vst v63  }
0x337: {  	s31 =	simm.s32 $0x8C00  }
0x338: {  	[tilespmem:s31], [sflag:$0x1] =	stream.indirect_vreg.gather [hbm4b:s5+s2], $0x80, v4, vm0, $0xb8;
	[tilespmem:$0x1E400] =	vst v63  }
0x339: {  	s31 =	simm.s32 $0x9400  }
0x33a: {  	[tilespmem:s31], [sflag:$0x1] =	stream.indirect_vreg.gather [hbm4b:s4+s2], $0x80, v3, vm0, $0xb8;
	[tilespmem:$0x1E400] =	vst v63  }
0x33b: {  	s31 =	simm.s32 $0x9C00  }
0x33c: {  	[tilespmem:s31], [sflag:$0x1] =	stream.indirect_vreg.gather [hbm4b:s5+s2], $0x80, v3, vm0, $0xb8;
	[tilespmem:$0x1E400] =	vst v63  }
0x33d: {  	_ =	swait.ge [sflag:s24], $0xA000  }
0x33e: {  	[sflag:s24] =	ssyncset.done $0x0  }
0x33f: {  	s20 =	simm.s32 $0x14400;
	s31 =	rddreg [dreg:$0xb];
	[sflag:s24] =	ssyncadd.s32 $0xFFFF6000  }
0x340: {  	[hbm4b:s31+s2] =	stream.linear.scatter [tilespmem:s20], [sflag:$0x6], $0xA000, $0x38;
	[tilespmem:$0x1E400] =	vst v63  }
0x341: {  	_ =	swait.ge [sflag:s25], $0xA000  }
0x342: {  	[sflag:s25] =	ssyncset.done $0x0  }
0x343: {  	[sflag:s25] =	ssyncadd.s32 $0xFFFF6000  }
0x344: {  	v3 =	vld [tilespmem:$0x320];
	_ =	sdelay $0x4  }
0x345: {  	v50 =	vshll.u32 v3, $0x2  }
0x346: {  	v3 =	vand.u32 $0x7, v3;
	v4 =	vand.u32 $0xFFFFFFE0, v50  }
0x347: {  	v3 =	vor.u32 v3, v4  }
0x348: {  	v4 =	vperm.xlane v3, v0;
	_ =	sdelay $0x1  }
0x349: {  	v4 =	vadd.s32 v1, v4;
	_ =	sdelay $0x1  }
0x34a: {  	v3 =	vperm.xlane v3, v2;
	_ =	sdelay $0x1  }
0x34b: {  	v3 =	vadd.s32 v1, v3  }
0x34c: {  	[tilespmem:s0], [sflag:$0x2] =	stream.indirect_vreg.gather [hbm4b:s4+s2], $0x80, v4, vm0, $0xb8;
	[tilespmem:$0x1E400] =	vst v63  }
0x34d: {  	s31 =	simm.s32 $0xAC00  }
0x34e: {  	[tilespmem:s31], [sflag:$0x2] =	stream.indirect_vreg.gather [hbm4b:s5+s2], $0x80, v4, vm0, $0xb8;
	[tilespmem:$0x1E400] =	vst v63  }
0x34f: {  	s31 =	simm.s32 $0xB400  }
0x350: {  	[tilespmem:s31], [sflag:$0x2] =	stream.indirect_vreg.gather [hbm4b:s4+s2], $0x80, v3, vm0, $0xb8;
	[tilespmem:$0x1E400] =	vst v63  }
0x351: {  	s31 =	simm.s32 $0xBC00  }
0x352: {  	[tilespmem:s31], [sflag:$0x2] =	stream.indirect_vreg.gather [hbm4b:s5+s2], $0x80, v3, vm0, $0xb8;
	[tilespmem:$0x1E400] =	vst v63  }
0x353: {  	v3 =	vld [tilespmem:$0x330];
	_ =	sdelay $0x4  }
0x354: {  	v51 =	vshll.u32 v3, $0x2  }
0x355: {  	v3 =	vand.u32 $0x7, v3;
	v4 =	vand.u32 $0xFFFFFFE0, v51  }
0x356: {  	v3 =	vor.u32 v3, v4  }
0x357: {  	v4 =	vperm.xlane v3, v0;
	_ =	sdelay $0x1  }
0x358: {  	v4 =	vadd.s32 v1, v4;
	_ =	sdelay $0x1  }
0x359: {  	v3 =	vperm.xlane v3, v2;
	_ =	sdelay $0x1  }
0x35a: {  	s31 =	simm.s32 $0xC400;
	v3 =	vadd.s32 v1, v3  }
0x35b: {  	[tilespmem:s31], [sflag:$0x2] =	stream.indirect_vreg.gather [hbm4b:s4+s2], $0x80, v4, vm0, $0xb8;
	[tilespmem:$0x1E400] =	vst v63  }
0x35c: {  	s31 =	simm.s32 $0xCC00  }
0x35d: {  	[tilespmem:s31], [sflag:$0x2] =	stream.indirect_vreg.gather [hbm4b:s5+s2], $0x80, v4, vm0, $0xb8;
	[tilespmem:$0x1E400] =	vst v63  }
0x35e: {  	s31 =	simm.s32 $0xD400  }
0x35f: {  	[tilespmem:s31], [sflag:$0x2] =	stream.indirect_vreg.gather [hbm4b:s4+s2], $0x80, v3, vm0, $0xb8;
	[tilespmem:$0x1E400] =	vst v63  }
0x360: {  	s31 =	simm.s32 $0xDC00  }
0x361: {  	[tilespmem:s31], [sflag:$0x2] =	stream.indirect_vreg.gather [hbm4b:s5+s2], $0x80, v3, vm0, $0xb8;
	[tilespmem:$0x1E400] =	vst v63  }
0x362: {  	v3 =	vld [tilespmem:$0x340];
	_ =	sdelay $0x4  }
0x363: {  	v52 =	vshll.u32 v3, $0x2  }
0x364: {  	v3 =	vand.u32 $0x7, v3;
	v4 =	vand.u32 $0xFFFFFFE0, v52  }
0x365: {  	v3 =	vor.u32 v3, v4  }
0x366: {  	v4 =	vperm.xlane v3, v0;
	_ =	sdelay $0x1  }
0x367: {  	v4 =	vadd.s32 v1, v4;
	_ =	sdelay $0x1  }
0x368: {  	v3 =	vperm.xlane v3, v2;
	_ =	sdelay $0x1  }
0x369: {  	s31 =	simm.s32 $0xE400;
	v3 =	vadd.s32 v1, v3  }
0x36a: {  	[tilespmem:s31], [sflag:$0x2] =	stream.indirect_vreg.gather [hbm4b:s4+s2], $0x80, v4, vm0, $0xb8;
	[tilespmem:$0x1E400] =	vst v63  }
0x36b: {  	s31 =	simm.s32 $0xEC00  }
0x36c: {  	[tilespmem:s31], [sflag:$0x2] =	stream.indirect_vreg.gather [hbm4b:s5+s2], $0x80, v4, vm0, $0xb8;
	[tilespmem:$0x1E400] =	vst v63  }
0x36d: {  	s31 =	simm.s32 $0xF400  }
0x36e: {  	[tilespmem:s31], [sflag:$0x2] =	stream.indirect_vreg.gather [hbm4b:s4+s2], $0x80, v3, vm0, $0xb8;
	[tilespmem:$0x1E400] =	vst v63  }
0x36f: {  	s31 =	simm.s32 $0xFC00  }
0x370: {  	[tilespmem:s31], [sflag:$0x2] =	stream.indirect_vreg.gather [hbm4b:s5+s2], $0x80, v3, vm0, $0xb8;
	[tilespmem:$0x1E400] =	vst v63  }
0x371: {  	v3 =	vld [tilespmem:$0x350];
	_ =	sdelay $0x4  }
0x372: {  	v53 =	vshll.u32 v3, $0x2  }
0x373: {  	v3 =	vand.u32 $0x7, v3;
	v4 =	vand.u32 $0xFFFFFFE0, v53  }
0x374: {  	v3 =	vor.u32 v3, v4  }
0x375: {  	v4 =	vperm.xlane v3, v0;
	_ =	sdelay $0x1  }
0x376: {  	v4 =	vadd.s32 v1, v4;
	_ =	sdelay $0x1  }
0x377: {  	v3 =	vperm.xlane v3, v2;
	_ =	sdelay $0x1  }
0x378: {  	s31 =	simm.s32 $0x10400;
	v3 =	vadd.s32 v1, v3  }
0x379: {  	[tilespmem:s31], [sflag:$0x2] =	stream.indirect_vreg.gather [hbm4b:s4+s2], $0x80, v4, vm0, $0xb8;
	[tilespmem:$0x1E400] =	vst v63  }
0x37a: {  	s31 =	simm.s32 $0x10C00  }
0x37b: {  	[tilespmem:s31], [sflag:$0x2] =	stream.indirect_vreg.gather [hbm4b:s5+s2], $0x80, v4, vm0, $0xb8;
	[tilespmem:$0x1E400] =	vst v63  }
0x37c: {  	s31 =	simm.s32 $0x11400  }
0x37d: {  	[tilespmem:s31], [sflag:$0x2] =	stream.indirect_vreg.gather [hbm4b:s4+s2], $0x80, v3, vm0, $0xb8;
	[tilespmem:$0x1E400] =	vst v63  }
0x37e: {  	s31 =	simm.s32 $0x11C00  }
0x37f: {  	[tilespmem:s31], [sflag:$0x2] =	stream.indirect_vreg.gather [hbm4b:s5+s2], $0x80, v3, vm0, $0xb8;
	[tilespmem:$0x1E400] =	vst v63  }
0x380: {  	v3 =	vld [tilespmem:$0x360];
	_ =	sdelay $0x4  }
0x381: {  	v54 =	vshll.u32 v3, $0x2  }
0x382: {  	v3 =	vand.u32 $0x7, v3;
	v4 =	vand.u32 $0xFFFFFFE0, v54  }
0x383: {  	v3 =	vor.u32 v3, v4  }
0x384: {  	v4 =	vperm.xlane v3, v0;
	_ =	sdelay $0x1  }
0x385: {  	v4 =	vadd.s32 v1, v4;
	_ =	sdelay $0x1  }
0x386: {  	v3 =	vperm.xlane v3, v2;
	_ =	sdelay $0x1  }
0x387: {  	s31 =	simm.s32 $0x12400;
	v3 =	vadd.s32 v1, v3  }
0x388: {  	[tilespmem:s31], [sflag:$0x2] =	stream.indirect_vreg.gather [hbm4b:s4+s2], $0x80, v4, vm0, $0xb8;
	[tilespmem:$0x1E400] =	vst v63  }
0x389: {  	s31 =	simm.s32 $0x12C00  }
0x38a: {  	[tilespmem:s31], [sflag:$0x2] =	stream.indirect_vreg.gather [hbm4b:s5+s2], $0x80, v4, vm0, $0xb8;
	[tilespmem:$0x1E400] =	vst v63  }
0x38b: {  	s31 =	simm.s32 $0x13400  }
0x38c: {  	[tilespmem:s31], [sflag:$0x2] =	stream.indirect_vreg.gather [hbm4b:s4+s2], $0x80, v3, vm0, $0xb8;
	[tilespmem:$0x1E400] =	vst v63  }
0x38d: {  	s31 =	simm.s32 $0x13C00  }
0x38e: {  	[tilespmem:s31], [sflag:$0x2] =	stream.indirect_vreg.gather [hbm4b:s5+s2], $0x80, v3, vm0, $0xb8;
	[tilespmem:$0x1E400] =	vst v63  }
0x38f: {  	_ =	swait.ge [sflag:s28], $0xA000  }
0x390: {  	[sflag:s28] =	ssyncset.done $0x0  }
0x391: {  	s31 =	rddreg [dreg:$0xc];
	[sflag:s28] =	ssyncadd.s32 $0xFFFF6000  }
0x392: {  	[hbm4b:s31+s2] =	stream.linear.scatter [tilespmem:s3], [sflag:$0x4], $0xA000, $0x38;
	[tilespmem:$0x1E400] =	vst v63  }
0x393: {  	_ =	swait.ge [sflag:s26], $0xA000  }
0x394: {  	[sflag:s26] =	ssyncset.done $0x0  }
0x395: {  	[sflag:s26] =	ssyncadd.s32 $0xFFFF6000  }
0x396: {  	v3 =	vld [tilespmem:$0x370];
	_ =	sdelay $0x4  }
0x397: {  	v55 =	vshll.u32 v3, $0x2  }
0x398: {  	v3 =	vand.u32 $0x7, v3;
	v4 =	vand.u32 $0xFFFFFFE0, v55  }
0x399: {  	v3 =	vor.u32 v3, v4  }
0x39a: {  	v4 =	vperm.xlane v3, v0;
	_ =	sdelay $0x1  }
0x39b: {  	v4 =	vadd.s32 v1, v4;
	_ =	sdelay $0x1  }
0x39c: {  	v3 =	vperm.xlane v3, v2;
	_ =	sdelay $0x1  }
0x39d: {  	v3 =	vadd.s32 v1, v3  }
0x39e: {  	[tilespmem:s20], [sflag:$0x3] =	stream.indirect_vreg.gather [hbm4b:s4+s2], $0x80, v4, vm0, $0xb8;
	[tilespmem:$0x1E400] =	vst v63  }
0x39f: {  	s31 =	simm.s32 $0x14C00  }
0x3a0: {  	[tilespmem:s31], [sflag:$0x3] =	stream.indirect_vreg.gather [hbm4b:s5+s2], $0x80, v4, vm0, $0xb8;
	[tilespmem:$0x1E400] =	vst v63  }
0x3a1: {  	s31 =	simm.s32 $0x15400  }
0x3a2: {  	[tilespmem:s31], [sflag:$0x3] =	stream.indirect_vreg.gather [hbm4b:s4+s2], $0x80, v3, vm0, $0xb8;
	[tilespmem:$0x1E400] =	vst v63  }
0x3a3: {  	s31 =	simm.s32 $0x15C00  }
0x3a4: {  	[tilespmem:s31], [sflag:$0x3] =	stream.indirect_vreg.gather [hbm4b:s5+s2], $0x80, v3, vm0, $0xb8;
	[tilespmem:$0x1E400] =	vst v63  }
0x3a5: {  	v3 =	vld [tilespmem:$0x380];
	_ =	sdelay $0x4  }
0x3a6: {  	v56 =	vshll.u32 v3, $0x2  }
0x3a7: {  	v3 =	vand.u32 $0x7, v3;
	v4 =	vand.u32 $0xFFFFFFE0, v56  }
0x3a8: {  	v3 =	vor.u32 v3, v4  }
0x3a9: {  	v4 =	vperm.xlane v3, v0;
	_ =	sdelay $0x1  }
0x3aa: {  	v4 =	vadd.s32 v1, v4;
	_ =	sdelay $0x1  }
0x3ab: {  	v3 =	vperm.xlane v3, v2;
	_ =	sdelay $0x1  }
0x3ac: {  	s21 =	simm.s32 $0x16400;
	v3 =	vadd.s32 v1, v3  }
0x3ad: {  	[tilespmem:s21], [sflag:$0x3] =	stream.indirect_vreg.gather [hbm4b:s4+s2], $0x80, v4, vm0, $0xb8;
	[tilespmem:$0x1E400] =	vst v63  }
0x3ae: {  	s31 =	simm.s32 $0x16C00  }
0x3af: {  	[tilespmem:s31], [sflag:$0x3] =	stream.indirect_vreg.gather [hbm4b:s5+s2], $0x80, v4, vm0, $0xb8;
	[tilespmem:$0x1E400] =	vst v63  }
0x3b0: {  	s31 =	simm.s32 $0x17400  }
0x3b1: {  	[tilespmem:s31], [sflag:$0x3] =	stream.indirect_vreg.gather [hbm4b:s4+s2], $0x80, v3, vm0, $0xb8;
	[tilespmem:$0x1E400] =	vst v63  }
0x3b2: {  	s31 =	simm.s32 $0x17C00  }
0x3b3: {  	[tilespmem:s31], [sflag:$0x3] =	stream.indirect_vreg.gather [hbm4b:s5+s2], $0x80, v3, vm0, $0xb8;
	[tilespmem:$0x1E400] =	vst v63  }
0x3b4: {  	v3 =	vld [tilespmem:$0x390];
	_ =	sdelay $0x4  }
0x3b5: {  	v57 =	vshll.u32 v3, $0x2  }
0x3b6: {  	v3 =	vand.u32 $0x7, v3;
	v4 =	vand.u32 $0xFFFFFFE0, v57  }
0x3b7: {  	v3 =	vor.u32 v3, v4  }
0x3b8: {  	v4 =	vperm.xlane v3, v0;
	_ =	sdelay $0x1  }
0x3b9: {  	v4 =	vadd.s32 v1, v4;
	_ =	sdelay $0x1  }
0x3ba: {  	v3 =	vperm.xlane v3, v2;
	_ =	sdelay $0x1  }
0x3bb: {  	s31 =	simm.s32 $0x18400;
	v3 =	vadd.s32 v1, v3  }
0x3bc: {  	[tilespmem:s31], [sflag:$0x3] =	stream.indirect_vreg.gather [hbm4b:s4+s2], $0x80, v4, vm0, $0xb8;
	[tilespmem:$0x1E400] =	vst v63  }
0x3bd: {  	s22 =	simm.s32 $0x18C00  }
0x3be: {  	[tilespmem:s22], [sflag:$0x3] =	stream.indirect_vreg.gather [hbm4b:s5+s2], $0x80, v4, vm0, $0xb8;
	[tilespmem:$0x1E400] =	vst v63  }
0x3bf: {  	s31 =	simm.s32 $0x19400  }
0x3c0: {  	[tilespmem:s31], [sflag:$0x3] =	stream.indirect_vreg.gather [hbm4b:s4+s2], $0x80, v3, vm0, $0xb8;
	[tilespmem:$0x1E400] =	vst v63  }
0x3c1: {  	s22 =	simm.s32 $0x19C00  }
0x3c2: {  	[tilespmem:s22], [sflag:$0x3] =	stream.indirect_vreg.gather [hbm4b:s5+s2], $0x80, v3, vm0, $0xb8;
	[tilespmem:$0x1E400] =	vst v63  }
0x3c3: {  	v3 =	vld [tilespmem:$0x3A0];
	_ =	sdelay $0x4  }
0x3c4: {  	v58 =	vshll.u32 v3, $0x2  }
0x3c5: {  	v3 =	vand.u32 $0x7, v3;
	v4 =	vand.u32 $0xFFFFFFE0, v58  }
0x3c6: {  	v3 =	vor.u32 v3, v4  }
0x3c7: {  	v4 =	vperm.xlane v3, v0;
	_ =	sdelay $0x1  }
0x3c8: {  	v4 =	vadd.s32 v1, v4;
	_ =	sdelay $0x1  }
0x3c9: {  	v3 =	vperm.xlane v3, v2;
	_ =	sdelay $0x1  }
0x3ca: {  	s23 =	simm.s32 $0x1A400;
	v3 =	vadd.s32 v1, v3  }
0x3cb: {  	[tilespmem:s23], [sflag:$0x3] =	stream.indirect_vreg.gather [hbm4b:s4+s2], $0x80, v4, vm0, $0xb8;
	[tilespmem:$0x1E400] =	vst v63  }
0x3cc: {  	s30 =	simm.s32 $0x1AC00  }
0x3cd: {  	[tilespmem:s30], [sflag:$0x3] =	stream.indirect_vreg.gather [hbm4b:s5+s2], $0x80, v4, vm0, $0xb8;
	[tilespmem:$0x1E400] =	vst v63  }
0x3ce: {  	s23 =	simm.s32 $0x1B400  }
0x3cf: {  	[tilespmem:s23], [sflag:$0x3] =	stream.indirect_vreg.gather [hbm4b:s4+s2], $0x80, v3, vm0, $0xb8;
	[tilespmem:$0x1E400] =	vst v63  }
0x3d0: {  	s30 =	simm.s32 $0x1BC00  }
0x3d1: {  	[tilespmem:s30], [sflag:$0x3] =	stream.indirect_vreg.gather [hbm4b:s5+s2], $0x80, v3, vm0, $0xb8;
	[tilespmem:$0x1E400] =	vst v63  }
0x3d2: {  	v3 =	vld [tilespmem:$0x3B0];
	_ =	sdelay $0x4  }
0x3d3: {  	v59 =	vshll.u32 v3, $0x2  }
0x3d4: {  	v3 =	vand.u32 $0x7, v3;
	v4 =	vand.u32 $0xFFFFFFE0, v59  }
0x3d5: {  	v3 =	vor.u32 v3, v4  }
0x3d6: {  	v4 =	vperm.xlane v3, v0;
	_ =	sdelay $0x1  }
0x3d7: {  	v4 =	vadd.s32 v1, v4;
	_ =	sdelay $0x1  }
0x3d8: {  	v3 =	vperm.xlane v3, v2;
	_ =	sdelay $0x1  }
0x3d9: {  	s31 =	simm.s32 $0x1C400;
	v3 =	vadd.s32 v1, v3  }
0x3da: {  	[tilespmem:s31], [sflag:$0x3] =	stream.indirect_vreg.gather [hbm4b:s4+s2], $0x80, v4, vm0, $0xb8;
	[tilespmem:$0x1E400] =	vst v63  }
0x3db: {  	s22 =	simm.s32 $0x1CC00  }
0x3dc: {  	[tilespmem:s22], [sflag:$0x3] =	stream.indirect_vreg.gather [hbm4b:s5+s2], $0x80, v4, vm0, $0xb8;
	[tilespmem:$0x1E400] =	vst v63  }
0x3dd: {  	s23 =	simm.s32 $0x1D400  }
0x3de: {  	[tilespmem:s23], [sflag:$0x3] =	stream.indirect_vreg.gather [hbm4b:s4+s2], $0x80, v3, vm0, $0xb8;
	[tilespmem:$0x1E400] =	vst v63  }
0x3df: {  	s29 =	simm.s32 $0x1DC00  }
0x3e0: {  	[tilespmem:s29], [sflag:$0x3] =	stream.indirect_vreg.gather [hbm4b:s5+s2], $0x80, v3, vm0, $0xb8;
	[tilespmem:$0x1E400] =	vst v63  }
0x3e1: {  	_ =	swait.ge [sflag:s15], $0xA000  }
0x3e2: {  	[sflag:s15] =	ssyncset.done $0x0  }
0x3e3: {  	s0 =	simm.s32 $0xA400;
	s30 =	rddreg [dreg:$0xd];
	[sflag:s15] =	ssyncadd.s32 $0xFFFF6000  }
0x3e4: {  	[hbm4b:s30+s2] =	stream.linear.scatter [tilespmem:s0], [sflag:$0x5], $0xA000, $0x38;
	[tilespmem:$0x1E400] =	vst v63  }
0x3e5: {  	_ =	swait.ge [sflag:s7], $0xA000  }
0x3e6: {  	[sflag:s7] =	ssyncset.done $0x0  }
0x3e7: {  	[sflag:s7] =	ssyncadd.s32 $0xFFFF6000  }
0x3e8: {  	v3 =	vld [tilespmem:$0x3C0];
	_ =	sdelay $0x4  }
0x3e9: {  	v60 =	vshll.u32 v3, $0x2  }
0x3ea: {  	v3 =	vand.u32 $0x7, v3;
	v4 =	vand.u32 $0xFFFFFFE0, v60  }
0x3eb: {  	v3 =	vor.u32 v3, v4  }
0x3ec: {  	v4 =	vperm.xlane v3, v0;
	_ =	sdelay $0x1  }
0x3ed: {  	v4 =	vadd.s32 v1, v4;
	_ =	sdelay $0x1  }
0x3ee: {  	v3 =	vperm.xlane v3, v2;
	_ =	sdelay $0x1  }
0x3ef: {  	s3 =	simm.s32 $0x400;
	v3 =	vadd.s32 v1, v3  }
0x3f0: {  	[tilespmem:s3], [sflag:$0x1] =	stream.indirect_vreg.gather [hbm4b:s4+s2], $0x80, v4, vm0, $0xb8;
	[tilespmem:$0x1E400] =	vst v63  }
0x3f1: {  	_ = 	snop  }
0x3f2: {  	[tilespmem:s1], [sflag:$0x1] =	stream.indirect_vreg.gather [hbm4b:s5+s2], $0x80, v4, vm0, $0xb8;
	[tilespmem:$0x1E400] =	vst v63  }
0x3f3: {  	_ = 	snop  }
0x3f4: {  	[tilespmem:s12], [sflag:$0x1] =	stream.indirect_vreg.gather [hbm4b:s4+s2], $0x80, v3, vm0, $0xb8;
	[tilespmem:$0x1E400] =	vst v63  }
0x3f5: {  	s21 =	simm.s32 $0x1C00  }
0x3f6: {  	[tilespmem:s21], [sflag:$0x1] =	stream.indirect_vreg.gather [hbm4b:s5+s2], $0x80, v3, vm0, $0xb8;
	[tilespmem:$0x1E400] =	vst v63  }
0x3f7: {  	v3 =	vld [tilespmem:$0x3D0];
	_ =	sdelay $0x4  }
0x3f8: {  	v61 =	vshll.u32 v3, $0x2  }
0x3f9: {  	v3 =	vand.u32 $0x7, v3;
	v4 =	vand.u32 $0xFFFFFFE0, v61  }
0x3fa: {  	v3 =	vor.u32 v3, v4  }
0x3fb: {  	v4 =	vperm.xlane v3, v0;
	_ =	sdelay $0x1  }
0x3fc: {  	v4 =	vadd.s32 v1, v4;
	_ =	sdelay $0x1  }
0x3fd: {  	v3 =	vperm.xlane v3, v2;
	_ =	sdelay $0x1  }
0x3fe: {  	v3 =	vadd.s32 v1, v3  }
0x3ff: {  	[tilespmem:s8], [sflag:$0x1] =	stream.indirect_vreg.gather [hbm4b:s4+s2], $0x80, v4, vm0, $0xb8;
	[tilespmem:$0x1E400] =	vst v63  }
0x400: {  	_ = 	snop  }
0x401: {  	[tilespmem:s13], [sflag:$0x1] =	stream.indirect_vreg.gather [hbm4b:s5+s2], $0x80, v4, vm0, $0xb8;
	[tilespmem:$0x1E400] =	vst v63  }
0x402: {  	_ = 	snop  }
0x403: {  	[tilespmem:s14], [sflag:$0x1] =	stream.indirect_vreg.gather [hbm4b:s4+s2], $0x80, v3, vm0, $0xb8;
	[tilespmem:$0x1E400] =	vst v63  }
0x404: {  	s22 =	simm.s32 $0x3C00  }
0x405: {  	[tilespmem:s22], [sflag:$0x1] =	stream.indirect_vreg.gather [hbm4b:s5+s2], $0x80, v3, vm0, $0xb8;
	[tilespmem:$0x1E400] =	vst v63  }
0x406: {  	v3 =	vld [tilespmem:$0x3E0];
	_ =	sdelay $0x4  }
0x407: {  	v62 =	vshll.u32 v3, $0x2  }
0x408: {  	v3 =	vand.u32 $0x7, v3;
	v4 =	vand.u32 $0xFFFFFFE0, v62  }
0x409: {  	v3 =	vor.u32 v3, v4  }
0x40a: {  	v4 =	vperm.xlane v3, v0;
	_ =	sdelay $0x1  }
0x40b: {  	v4 =	vadd.s32 v1, v4;
	_ =	sdelay $0x1  }
0x40c: {  	v3 =	vperm.xlane v3, v2;
	_ =	sdelay $0x1  }
0x40d: {  	v3 =	vadd.s32 v1, v3  }
0x40e: {  	[tilespmem:s9], [sflag:$0x1] =	stream.indirect_vreg.gather [hbm4b:s4+s2], $0x80, v4, vm0, $0xb8;
	[tilespmem:$0x1E400] =	vst v63  }
0x40f: {  	_ = 	snop  }
0x410: {  	[tilespmem:s16], [sflag:$0x1] =	stream.indirect_vreg.gather [hbm4b:s5+s2], $0x80, v4, vm0, $0xb8;
	[tilespmem:$0x1E400] =	vst v63  }
0x411: {  	_ = 	snop  }
0x412: {  	[tilespmem:s17], [sflag:$0x1] =	stream.indirect_vreg.gather [hbm4b:s4+s2], $0x80, v3, vm0, $0xb8;
	[tilespmem:$0x1E400] =	vst v63  }
0x413: {  	s23 =	simm.s32 $0x5C00  }
0x414: {  	[tilespmem:s23], [sflag:$0x1] =	stream.indirect_vreg.gather [hbm4b:s5+s2], $0x80, v3, vm0, $0xb8;
	[tilespmem:$0x1E400] =	vst v63  }
0x415: {  	v3 =	vld [tilespmem:$0x3F0];
	_ =	sdelay $0x4  }
0x416: {  	v63 =	vshll.u32 v3, $0x2  }
0x417: {  	v3 =	vand.u32 $0x7, v3;
	v4 =	vand.u32 $0xFFFFFFE0, v63  }
0x418: {  	v3 =	vor.u32 v3, v4  }
0x419: {  	v4 =	vperm.xlane v3, v0;
	_ =	sdelay $0x1  }
0x41a: {  	v4 =	vadd.s32 v1, v4;
	_ =	sdelay $0x1  }
0x41b: {  	v3 =	vperm.xlane v3, v2;
	_ =	sdelay $0x1  }
0x41c: {  	v3 =	vadd.s32 v1, v3  }
0x41d: {  	[tilespmem:s10], [sflag:$0x1] =	stream.indirect_vreg.gather [hbm4b:s4+s2], $0x80, v4, vm0, $0xb8;
	[tilespmem:$0x1E400] =	vst v63  }
0x41e: {  	_ = 	snop  }
0x41f: {  	[tilespmem:s18], [sflag:$0x1] =	stream.indirect_vreg.gather [hbm4b:s5+s2], $0x80, v4, vm0, $0xb8;
	[tilespmem:$0x1E400] =	vst v63  }
0x420: {  	_ = 	snop  }
0x421: {  	[tilespmem:s19], [sflag:$0x1] =	stream.indirect_vreg.gather [hbm4b:s4+s2], $0x80, v3, vm0, $0xb8;
	[tilespmem:$0x1E400] =	vst v63  }
0x422: {  	s11 =	simm.s32 $0x7C00  }
0x423: {  	[tilespmem:s11], [sflag:$0x1] =	stream.indirect_vreg.gather [hbm4b:s5+s2], $0x80, v3, vm0, $0xb8;
	[tilespmem:$0x1E400] =	vst v63  }
0x424: {  	_ =	swait.ge [sflag:s24], $0xA000  }
0x425: {  	[sflag:s24] =	ssyncset.done $0x0  }
0x426: {  	s29 =	rddreg [dreg:$0xe];
	[sflag:s24] =	ssyncadd.s32 $0xFFFF6000  }
0x427: {  	[hbm4b:s29+s2] =	stream.linear.scatter [tilespmem:s20], [sflag:$0x6], $0xA000, $0x38;
	[tilespmem:$0x1E400] =	vst v63  }
0x428: {  	_ =	swait.ge [sflag:s28], $0x8000  }
0x429: {  	[sflag:s28] =	ssyncset.done $0x0  }
0x42a: {  	s30 =	rddreg [dreg:$0xf];
	[sflag:s28] =	ssyncadd.s32 $0xFFFF8000  }
0x42b: {  	[hbm4b:s30+s2] =	stream.linear.scatter [tilespmem:s3], [sflag:$0x4], $0x8000, $0x38;
	[tilespmem:$0x1E400] =	vst v63  }
0x42c: {  	_ =	swait.ge [sflag:s7], $0x8000  }
0x42d: {  	[sflag:s7] =	ssyncset.done $0x0  }
0x42e: {  	[sflag:s7] =	ssyncadd.s32 $0xFFFF8000  }
0x42f: {  	p0 =	sne.s32 s6, $0x1;
	_ =	swait.ge [sflag:s25], $0xA000  }
.Ltmp0:
0x430: {  	[sflag:s25] =	ssyncset.done $0x0;
	(pc) =	sbr.rel @p0 .LBB2_1-.Ltmp0, $4  }
0x431: {  	[sflag:s25] =	ssyncadd.s32 $0xFFFF6000  }
0x432: {  	_ =	swait.ge [sflag:s26], $0xA000  }
0x433: {  	[sflag:s26] =	ssyncset.done $0x0  }
0x434: {  	s6 =	sadd.s32 $0xFFFFFFFF, s6;
	[sflag:s26] =	ssyncadd.s32 $0xFFFF6000  }
0x435: {  	_ =	sfence.sel $0x180000  }
0x436: {  	[bflag:$0x0] =	sbarrier.arrive $0xFFFF  }
0x437: {  	_ =	strace $0x90000047  }
0x438: {  	s0 =	stileid.u32;
	[bflag:$0x2] =	sbarrier.arrive $0xFFFF  }
0x439: {  	p0 =	sne.s32 s0, $0x0;
	s0 =	rddreg [dreg:$0x2]  }
0x43a: {  	s0 =	sadd.s32 @!p0 $0x100000, s0  }
0x43b: {  	[sflag:s0] =	ssyncadd.tile.s32 @!p0 $0x1;
	_ =	shalt  }
.Lfunc_end2:
_tile_overlayer_lowered:
.L_overlay_start_2:
0x43c: {  	(tag) =	ssettag $0x2  }
0x43d: {  	s0 =	rddreg [dreg:$0x0];
	s2 =	stileid.u32  }
0x43e: {  	s1 =	rddreg [dreg:$0x1];
	p0 =	sne.s32 s2, $0x0  }
0x43f: {  	s3 =	rddreg [dreg:$0x2];
	[bflag:$0x3] =	sbarrier.arrive $0xFFFF;
	s2 =	simm.s32 @!p0 $0x1C07  }
0x440: {  	[timem:s3], [sflag:s2] =	dma.local @!p0 [hbm:s0], s1  }
0x441: {  	s0 =	simm.s32 @!p0 $0x7  }
0x442: {  	_ =	swait.ge @!p0 [sflag:s0], s1  }
0x443: {  	s1 =	ssub.s32 @!p0 $0x0, s1;
	[sflag:s0] =	ssyncset.done @!p0 $0x0  }
0x444: {  	[sflag:s0] =	ssyncadd.s32 @!p0 s1  }
0x445: {  	[bflag:$0x3] =	sbarrier.arrive $0xFFFF  }
0x446: {  	_ =	shalt  }

</sc_bundles>
